<compile_context>
chip_gen: v7x
topology: tpu7x:2x2x1
jax: 0.10.2.dev20260603
libtpu: 0.0.44.dev20260713+nightly
codegen_flags: <defaults>
</compile_context>

<pallas_src>
import functools

import jax
import jax.numpy as jnp
from jax import lax
from jax.experimental import pallas as pl
from jax.experimental.pallas import tpu as pltpu
from jax.experimental.pallas import tpu_sc as plsc

NC = 2
NS = 16
L = 16
NW = NC * NS

TOTAL = 2048 * 8192
PER_W = TOTAL // NW
CHUNK = 16384
NSTEPS = PER_W // CHUNK
ELEMS_PER_IT = 4 * L
NIT = CHUNK // ELEMS_PER_IT

_mesh = plsc.VectorSubcoreMesh(
    core_axis_name="c", subcore_axis_name="s", num_cores=NC, num_subcores=NS
)


def _sign(d):
    return lax.shift_right_logical(
        lax.bitcast_convert_type(d, jnp.int32), jnp.int32(31))


@functools.partial(
    pl.kernel,
    out_type=jax.ShapeDtypeStruct((TOTAL,), jnp.float32),
    mesh=_mesh,
    scratch_types=[
        pltpu.VMEM((CHUNK,), jnp.float32),
        pltpu.VMEM((CHUNK,), jnp.float32),
        pltpu.VMEM((CHUNK,), jnp.float32),
        pltpu.VMEM((CHUNK,), jnp.float32),
        pltpu.VMEM_SHARED((NS, 2, CHUNK), jnp.float32),
        pltpu.SemaphoreType.DMA,
        pltpu.SemaphoreType.DMA,
        pltpu.SemaphoreType.DMA,
        pltpu.SemaphoreType.DMA,
    ],
    compiler_params=pltpu.CompilerParams(needs_layout_passes=False),
)
def _sparsity_sc(x_hbm, out_hbm, in0, in1, out0, out1, spmem,
                 sem_i0, sem_i1, sem_o0, sem_o1):
    sid = lax.axis_index("s")
    wid = sid * NC + lax.axis_index("c")
    base = wid * PER_W
    iota4 = lax.iota(jnp.int32, L) * 4
    idx0 = iota4
    idx1 = iota4 + 1
    idx2 = iota4 + 2
    idx3 = iota4 + 3
    zero = jnp.zeros((L,), jnp.float32)

    def compute(src, dst):
        @plsc.parallel_loop(0, NIT, step=1, unroll=4)
        def _body(i):
            b = i * ELEMS_PER_IT
            s = src.at[pl.ds(b, ELEMS_PER_IT)]
            d = dst.at[pl.ds(b, ELEMS_PER_IT)]
            x0 = plsc.load_gather(s, [idx0])
            x1 = plsc.load_gather(s, [idx1])
            x2 = plsc.load_gather(s, [idx2])
            x3 = plsc.load_gather(s, [idx3])
            m = jnp.uint32(0x7FFFFFFF)
            key0 = lax.bitcast_convert_type(x0, jnp.uint32) & m
            key1 = (lax.bitcast_convert_type(x1, jnp.uint32) & m) + 1
            key2 = (lax.bitcast_convert_type(x2, jnp.uint32) & m) + 2
            key3 = (lax.bitcast_convert_type(x3, jnp.uint32) & m) + 3
            hi01 = jnp.maximum(key0, key1)
            lo01 = jnp.minimum(key0, key1)
            hi23 = jnp.maximum(key2, key3)
            lo23 = jnp.minimum(key2, key3)
            second = jnp.maximum(jnp.minimum(hi01, hi23),
                                 jnp.maximum(lo01, lo23))
            k0 = key0 >= second
            k1 = key1 >= second
            k2 = key2 >= second
            k3 = key3 >= second
            plsc.store_scatter(d, [idx0], jnp.where(k0, x0, zero))
            plsc.store_scatter(d, [idx1], jnp.where(k1, x1, zero))
            plsc.store_scatter(d, [idx2], jnp.where(k2, x2, zero))
            plsc.store_scatter(d, [idx3], jnp.where(k3, x3, zero))

    def halfstep(g, q, inb, outb, sem_i, sem_o):
        off = base + g * CHUNK
        pltpu.make_async_copy(
            x_hbm.at[pl.ds(off, CHUNK)], spmem.at[sid, q], sem_i).wait()
        pltpu.sync_copy(spmem.at[sid, q], inb)
        @pl.when(g >= 2)
        def _():
            pltpu.make_async_copy(
                outb, out_hbm.at[pl.ds(off, CHUNK)], sem_o).wait()

        compute(inb, outb)
        pltpu.async_copy(outb, out_hbm.at[pl.ds(off, CHUNK)], sem_o)

        @pl.when(g + 2 < NSTEPS)
        def _():
            off2 = off + 2 * CHUNK
            pltpu.async_copy(
                x_hbm.at[pl.ds(off2, CHUNK)], spmem.at[sid, q], sem_i)

    pltpu.async_copy(x_hbm.at[pl.ds(base, CHUNK)], spmem.at[sid, 0], sem_i0)
    pltpu.async_copy(
        x_hbm.at[pl.ds(base + CHUNK, CHUNK)], spmem.at[sid, 1], sem_i1)

    def step(gg, carry):
        g = gg * 2
        halfstep(g, 0, in0, out0, sem_i0, sem_o0)
        halfstep(g + 1, 1, in1, out1, sem_i1, sem_o1)
        return carry

    lax.fori_loop(0, NSTEPS // 2, step, 0)

    pltpu.make_async_copy(
        out0, out_hbm.at[pl.ds(base, CHUNK)], sem_o0).wait()
    pltpu.make_async_copy(
        out1, out_hbm.at[pl.ds(base, CHUNK)], sem_o1).wait()


def kernel(inputs):
    flat = inputs.reshape(TOTAL)
    out = _sparsity_sc(flat)
    return out.reshape(inputs.shape)

# --- scband reference (transcript-rebuilt; emitter-appended) ---
"""Pipeline reference for scband-sparsity-27066883899821 (READ-ONLY COPY).

The authoritative reference and input builder live on the scoring server;
editing this copy changes nothing except your own understanding.
"""

import jax, jax.numpy as jnp
import numpy as np

N_SPARSITY = 2
M_SPARSITY = 4


def setup_inputs(seed: int = 0) -> dict:
    key = jax.random.key(seed)
    inputs = jax.random.normal(key, (2048, 8192), dtype=jnp.float32)
    return {"inputs": inputs}


def get_pruning_n_m_mask(inputs, n, m, absolute=True, smallest=True):
    # order='R', offset=0 path of the original implementation
    length = inputs.size
    assert length % m == 0
    group = length // m
    vals = jnp.abs(inputs) if absolute else inputs
    vals = vals.reshape(group, m)
    mask = jnp.ones((group, m), dtype=bool)
    if smallest:
        _, top_k_indices = jax.lax.top_k(-vals, k=m - n)
    else:
        _, top_k_indices = jax.lax.top_k(vals, k=m - n)
    mask = jax.vmap(lambda x, i: x.at[i].set(False))(mask, top_k_indices)
    return mask.reshape(inputs.shape)


def reference(inputs):
    # sr_ste forward with update_mask=True, apply_mask=True:
    # compute fresh 2:4 structured mask, then apply it to the inputs.
    updated_mask = get_pruning_n_m_mask(inputs, N_SPARSITY, M_SPARSITY,
                                        absolute=True, smallest=True)
    updated_inputs = jnp.multiply(updated_mask, inputs)
    return updated_inputs

if __name__ == "__main__":
    import jax
    _d = setup_inputs()
    print(jax.jit(kernel)(*tuple(_d.values())))

</pallas_src>

<mosaic_0001>
#map = affine_map<(d0, d1) -> (0)>
module attributes {stable_mosaic.version = 14 : i64} {
  func.func @_sparsity_sc(%arg0: i32, %arg1: i32, %arg2: memref<16777216xf32, #tpu.memory_space<hbm>>, %arg3: memref<16777216xf32, #tpu.memory_space<hbm>>, %arg4: memref<16384xf32, #tpu.memory_space<vmem>>, %arg5: memref<16384xf32, #tpu.memory_space<vmem>>, %arg6: memref<16384xf32, #tpu.memory_space<vmem>>, %arg7: memref<16384xf32, #tpu.memory_space<vmem>>, %arg8: memref<16x2x16384xf32, #tpu.memory_space<vmem_shared>>, %arg9: memref<!tpu.dma_semaphore, #tpu.memory_space<semaphore_mem>>, %arg10: memref<!tpu.dma_semaphore, #tpu.memory_space<semaphore_mem>>, %arg11: memref<!tpu.dma_semaphore, #tpu.memory_space<semaphore_mem>>, %arg12: memref<!tpu.dma_semaphore, #tpu.memory_space<semaphore_mem>>) attributes {dimension_semantics = [#tpu.dimension_semantics<core_parallel>, #tpu.dimension_semantics<subcore_parallel>], iteration_bounds = array<i64: 2, 16>, scalar_prefetch = 0 : i64, scratch_operands = 9 : i64, tpu.core_type = #tpu.core_type<sc_vector_subcore>, window_params = [{transform_indices = #map}, {transform_indices = #map}]} {
    %mul3A = arith.constant 2 : i32
    %mul3A_0 = arith.muli %arg1, %mul3A : i32
    %add3A = arith.addi %mul3A_0, %arg0 : i32
    %mul3A_1 = arith.constant 524288 : i32
    %mul3A_2 = arith.muli %add3A, %mul3A_1 : i32
    %iota3A = tpu.iota {dimensions = array<i32: 0>} : vector<16xi32>
    %mul3A_3 = arith.constant 4 : i32
    %mul3A_4 = vector.broadcast %mul3A_3 : i32 to vector<16xi32>
    %mul3A_5 = arith.muli %iota3A, %mul3A_4 : vector<16xi32>
    %add3A_6 = arith.constant 1 : i32
    %add3A_7 = vector.broadcast %add3A_6 : i32 to vector<16xi32>
    %add3A_8 = arith.addi %mul3A_5, %add3A_7 : vector<16xi32>
    %add3A_9 = arith.constant 2 : i32
    %add3A_10 = vector.broadcast %add3A_9 : i32 to vector<16xi32>
    %add3A_11 = arith.addi %mul3A_5, %add3A_10 : vector<16xi32>
    %add3A_12 = arith.constant 3 : i32
    %add3A_13 = vector.broadcast %add3A_12 : i32 to vector<16xi32>
    %add3A_14 = arith.addi %mul3A_5, %add3A_13 : vector<16xi32>
    %broadcast_in_dim3A = arith.constant 0.000000e+00 : f32
    %broadcast_in_dim3A_15 = vector.broadcast %broadcast_in_dim3A : f32 to vector<16xf32>
    %dma_start3A = arith.constant 0 : i32
    %dma_start3A_16 = arith.constant 0 : i32
    %dma_start3A_17 = tpu.memref_slice %arg8[%arg1, %dma_start3A, %dma_start3A_16] : memref<16x2x16384xf32, #tpu.memory_space<vmem_shared>> -> memref<1x1x16384xf32, #tpu.memory_space<vmem_shared>>
    %dma_start3A_18 = tpu.memref_squeeze %dma_start3A_17 : memref<1x1x16384xf32, #tpu.memory_space<vmem_shared>> -> memref<16384xf32, #tpu.memory_space<vmem_shared>>
    %dma_start3A_19 = tpu.memref_slice %arg2[%mul3A_2] : memref<16777216xf32, #tpu.memory_space<hbm>> -> memref<16384xf32, #tpu.memory_space<hbm>>
    tpu.enqueue_dma source(%dma_start3A_19 : memref<16384xf32, #tpu.memory_space<hbm>>) target(%dma_start3A_18 : memref<16384xf32, #tpu.memory_space<vmem_shared>>) target_semaphore(%arg9 : memref<!tpu.dma_semaphore, #tpu.memory_space<semaphore_mem>>)
    %add3A_20 = arith.constant 16384 : i32
    %add3A_21 = arith.addi %mul3A_2, %add3A_20 : i32
    %dma_start3A_22 = arith.constant 1 : i32
    %dma_start3A_23 = arith.constant 0 : i32
    %dma_start3A_24 = tpu.memref_slice %arg8[%arg1, %dma_start3A_22, %dma_start3A_23] : memref<16x2x16384xf32, #tpu.memory_space<vmem_shared>> -> memref<1x1x16384xf32, #tpu.memory_space<vmem_shared>>
    %dma_start3A_25 = tpu.memref_squeeze %dma_start3A_24 : memref<1x1x16384xf32, #tpu.memory_space<vmem_shared>> -> memref<16384xf32, #tpu.memory_space<vmem_shared>>
    %dma_start3A_26 = tpu.memref_slice %arg2[%add3A_21] : memref<16777216xf32, #tpu.memory_space<hbm>> -> memref<16384xf32, #tpu.memory_space<hbm>>
    tpu.enqueue_dma source(%dma_start3A_26 : memref<16384xf32, #tpu.memory_space<hbm>>) target(%dma_start3A_25 : memref<16384xf32, #tpu.memory_space<vmem_shared>>) target_semaphore(%arg10 : memref<!tpu.dma_semaphore, #tpu.memory_space<semaphore_mem>>)
    %scan3A = arith.constant 0 : i32
    %scan3A_27 = arith.constant 0 : i32
    %scan3A_28 = arith.constant 16 : i32
    %scan3A_29 = arith.addi %scan3A_27, %scan3A_28 : i32
    %scan3A_30 = arith.constant 1 : i32
    scf.for %scan3A_35 = %scan3A_27 to %scan3A_29 step %scan3A_30  : i32 {
      %mul3A_36 = arith.constant 2 : i32
      %mul3A_37 = arith.muli %scan3A_35, %mul3A_36 : i32
      %mul3A_38 = arith.constant 16384 : i32
      %mul3A_39 = arith.muli %mul3A_37, %mul3A_38 : i32
      %add3A_40 = arith.addi %mul3A_2, %mul3A_39 : i32
      %dma_wait3A_41 = arith.constant 0 : i32
      %dma_wait3A_42 = arith.constant 0 : i32
      %dma_wait3A_43 = tpu.memref_slice %arg8[%arg1, %dma_wait3A_41, %dma_wait3A_42] : memref<16x2x16384xf32, #tpu.memory_space<vmem_shared>> -> memref<1x1x16384xf32, #tpu.memory_space<vmem_shared>>
      %dma_wait3A_44 = tpu.memref_squeeze %dma_wait3A_43 : memref<1x1x16384xf32, #tpu.memory_space<vmem_shared>> -> memref<16384xf32, #tpu.memory_space<vmem_shared>>
      %dma_wait3A_45 = tpu.memref_slice %arg2[%add3A_40] : memref<16777216xf32, #tpu.memory_space<hbm>> -> memref<16384xf32, #tpu.memory_space<hbm>>
      tpu.wait_dma2 semaphore(%arg9 : memref<!tpu.dma_semaphore, #tpu.memory_space<semaphore_mem>>) src(%dma_wait3A_45 : memref<16384xf32, #tpu.memory_space<hbm>>) dst(%dma_wait3A_44 : memref<16384xf32, #tpu.memory_space<vmem_shared>>)
      %run_scoped3A = arith.constant 0 : i32
      "tpu.region"() ({
        %run_scoped3A_86 = tpu.sem_alloc : memref<!tpu.dma_semaphore, #tpu.memory_space<semaphore_mem>>
        %dma_start3A_87 = arith.constant 0 : i32
        %dma_start3A_88 = tpu.memref_slice %arg8[%arg1, %run_scoped3A, %dma_start3A_87] : memref<16x2x16384xf32, #tpu.memory_space<vmem_shared>> -> memref<1x1x16384xf32, #tpu.memory_space<vmem_shared>>
        %dma_start3A_89 = tpu.memref_squeeze %dma_start3A_88 : memref<1x1x16384xf32, #tpu.memory_space<vmem_shared>> -> memref<16384xf32, #tpu.memory_space<vmem_shared>>
        %dma_start3A_90 = arith.constant 0 : i32
        %dma_start3A_91 = tpu.memref_slice %arg8[%arg1, %run_scoped3A, %dma_start3A_90] : memref<16x2x16384xf32, #tpu.memory_space<vmem_shared>> -> memref<1x1x16384xf32, #tpu.memory_space<vmem_shared>>
        %dma_start3A_92 = tpu.memref_squeeze %dma_start3A_91 : memref<1x1x16384xf32, #tpu.memory_space<vmem_shared>> -> memref<16384xf32, #tpu.memory_space<vmem_shared>>
        tpu.enqueue_dma source(%dma_start3A_92 : memref<16384xf32, #tpu.memory_space<vmem_shared>>) target(%arg4 : memref<16384xf32, #tpu.memory_space<vmem>>) target_semaphore(%run_scoped3A_86 : memref<!tpu.dma_semaphore, #tpu.memory_space<semaphore_mem>>)
        %dma_wait3A_93 = arith.constant 0 : i32
        %dma_wait3A_94 = tpu.memref_slice %arg8[%arg1, %run_scoped3A, %dma_wait3A_93] : memref<16x2x16384xf32, #tpu.memory_space<vmem_shared>> -> memref<1x1x16384xf32, #tpu.memory_space<vmem_shared>>
        %dma_wait3A_95 = tpu.memref_squeeze %dma_wait3A_94 : memref<1x1x16384xf32, #tpu.memory_space<vmem_shared>> -> memref<16384xf32, #tpu.memory_space<vmem_shared>>
        %dma_wait3A_96 = arith.constant 0 : i32
        %dma_wait3A_97 = tpu.memref_slice %arg8[%arg1, %run_scoped3A, %dma_wait3A_96] : memref<16x2x16384xf32, #tpu.memory_space<vmem_shared>> -> memref<1x1x16384xf32, #tpu.memory_space<vmem_shared>>
        %dma_wait3A_98 = tpu.memref_squeeze %dma_wait3A_97 : memref<1x1x16384xf32, #tpu.memory_space<vmem_shared>> -> memref<16384xf32, #tpu.memory_space<vmem_shared>>
        tpu.wait_dma2 semaphore(%run_scoped3A_86 : memref<!tpu.dma_semaphore, #tpu.memory_space<semaphore_mem>>) src(%dma_wait3A_98 : memref<16384xf32, #tpu.memory_space<vmem_shared>>) dst(%arg4 : memref<16384xf32, #tpu.memory_space<vmem>>)
        tpu.yield
      }) : () -> ()
      %ge3A = arith.constant 2 : i32
      %ge3A_46 = arith.cmpi sge, %mul3A_37, %ge3A : i32
      %convert_element_type3A = arith.extui %ge3A_46 : i1 to i32
      %cond3A = arith.constant 0 : i32
      %cond3A_47 = arith.cmpi ne, %convert_element_type3A, %cond3A : i32
      scf.if %cond3A_47 {
        %dma_wait3A_86 = tpu.memref_slice %arg3[%add3A_40] : memref<16777216xf32, #tpu.memory_space<hbm>> -> memref<16384xf32, #tpu.memory_space<hbm>>
        %dma_wait3A_87 = tpu.memref_slice %arg3[%add3A_40] : memref<16777216xf32, #tpu.memory_space<hbm>> -> memref<16384xf32, #tpu.memory_space<hbm>>
        tpu.wait_dma2 semaphore(%arg11 : memref<!tpu.dma_semaphore, #tpu.memory_space<semaphore_mem>>) src(%arg6 : memref<16384xf32, #tpu.memory_space<vmem>>) dst(%dma_wait3A_87 : memref<16384xf32, #tpu.memory_space<hbm>>)
      } else {
      }
      %parallel_loop3A = arith.constant 0 : i32
      %parallel_loop3A_48 = arith.constant 256 : i32
      %parallel_loop3A_49 = arith.constant 1 : i32
      scf.for %parallel_loop3A_86 = %parallel_loop3A to %parallel_loop3A_48 step %parallel_loop3A_49  : i32 {
        %parallel_loop3A_87 = arith.constant 64 : i32
        %parallel_loop3A_88 = arith.muli %parallel_loop3A_86, %parallel_loop3A_87 : i32
        %parallel_loop3A_89 = tpu.memref_slice %arg4[%parallel_loop3A_88] : memref<16384xf32, #tpu.memory_space<vmem>> -> memref<64xf32, #tpu.memory_space<vmem>>
        %parallel_loop3A_90 = tpu.vector_load_idx %parallel_loop3A_89[%mul3A_5] : memref<64xf32, #tpu.memory_space<vmem>>[vector<16xi32>], vector<16xf32>,
        %parallel_loop3A_91 = tpu.memref_slice %arg4[%parallel_loop3A_88] : memref<16384xf32, #tpu.memory_space<vmem>> -> memref<64xf32, #tpu.memory_space<vmem>>
        %parallel_loop3A_92 = tpu.vector_load_idx %parallel_loop3A_91[%add3A_8] : memref<64xf32, #tpu.memory_space<vmem>>[vector<16xi32>], vector<16xf32>,
        %parallel_loop3A_93 = tpu.memref_slice %arg4[%parallel_loop3A_88] : memref<16384xf32, #tpu.memory_space<vmem>> -> memref<64xf32, #tpu.memory_space<vmem>>
        %parallel_loop3A_94 = tpu.vector_load_idx %parallel_loop3A_93[%add3A_11] : memref<64xf32, #tpu.memory_space<vmem>>[vector<16xi32>], vector<16xf32>,
        %parallel_loop3A_95 = tpu.memref_slice %arg4[%parallel_loop3A_88] : memref<16384xf32, #tpu.memory_space<vmem>> -> memref<64xf32, #tpu.memory_space<vmem>>
        %parallel_loop3A_96 = tpu.vector_load_idx %parallel_loop3A_95[%add3A_14] : memref<64xf32, #tpu.memory_space<vmem>>[vector<16xi32>], vector<16xf32>,
        %parallel_loop3A_97 = tpu.bitcast %parallel_loop3A_90 : vector<16xf32> -> vector<16xi32>
        %parallel_loop3A_98 = arith.constant 2147483647 : i32
        %parallel_loop3A_99 = vector.broadcast %parallel_loop3A_98 : i32 to vector<16xi32>
        %parallel_loop3A_100 = arith.andi %parallel_loop3A_97, %parallel_loop3A_99 : vector<16xi32>
        %parallel_loop3A_101 = tpu.bitcast %parallel_loop3A_92 : vector<16xf32> -> vector<16xi32>
        %parallel_loop3A_102 = arith.constant 2147483647 : i32
        %parallel_loop3A_103 = vector.broadcast %parallel_loop3A_102 : i32 to vector<16xi32>
        %parallel_loop3A_104 = arith.andi %parallel_loop3A_101, %parallel_loop3A_103 : vector<16xi32>
        %parallel_loop3A_105 = arith.constant 1 : i32
        %parallel_loop3A_106 = vector.broadcast %parallel_loop3A_105 : i32 to vector<16xi32>
        %parallel_loop3A_107 = arith.addi %parallel_loop3A_104, %parallel_loop3A_106 : vector<16xi32>
        %parallel_loop3A_108 = tpu.bitcast %parallel_loop3A_94 : vector<16xf32> -> vector<16xi32>
        %parallel_loop3A_109 = arith.constant 2147483647 : i32
        %parallel_loop3A_110 = vector.broadcast %parallel_loop3A_109 : i32 to vector<16xi32>
        %parallel_loop3A_111 = arith.andi %parallel_loop3A_108, %parallel_loop3A_110 : vector<16xi32>
        %parallel_loop3A_112 = arith.constant 2 : i32
        %parallel_loop3A_113 = vector.broadcast %parallel_loop3A_112 : i32 to vector<16xi32>
        %parallel_loop3A_114 = arith.addi %parallel_loop3A_111, %parallel_loop3A_113 : vector<16xi32>
        %parallel_loop3A_115 = tpu.bitcast %parallel_loop3A_96 : vector<16xf32> -> vector<16xi32>
        %parallel_loop3A_116 = arith.constant 2147483647 : i32
        %parallel_loop3A_117 = vector.broadcast %parallel_loop3A_116 : i32 to vector<16xi32>
        %parallel_loop3A_118 = arith.andi %parallel_loop3A_115, %parallel_loop3A_117 : vector<16xi32>
        %parallel_loop3A_119 = arith.constant 3 : i32
        %parallel_loop3A_120 = vector.broadcast %parallel_loop3A_119 : i32 to vector<16xi32>
        %parallel_loop3A_121 = arith.addi %parallel_loop3A_118, %parallel_loop3A_120 : vector<16xi32>
        %parallel_loop3A_122 = arith.maxui %parallel_loop3A_100, %parallel_loop3A_107 : vector<16xi32>
        %parallel_loop3A_123 = arith.minui %parallel_loop3A_100, %parallel_loop3A_107 : vector<16xi32>
        %parallel_loop3A_124 = arith.maxui %parallel_loop3A_114, %parallel_loop3A_121 : vector<16xi32>
        %parallel_loop3A_125 = arith.minui %parallel_loop3A_114, %parallel_loop3A_121 : vector<16xi32>
        %parallel_loop3A_126 = arith.minui %parallel_loop3A_122, %parallel_loop3A_124 : vector<16xi32>
        %parallel_loop3A_127 = arith.maxui %parallel_loop3A_123, %parallel_loop3A_125 : vector<16xi32>
        %parallel_loop3A_128 = arith.maxui %parallel_loop3A_126, %parallel_loop3A_127 : vector<16xi32>
        %parallel_loop3A_129 = arith.cmpi uge, %parallel_loop3A_100, %parallel_loop3A_128 : vector<16xi32>
        %parallel_loop3A_130 = arith.cmpi uge, %parallel_loop3A_107, %parallel_loop3A_128 : vector<16xi32>
        %parallel_loop3A_131 = arith.cmpi uge, %parallel_loop3A_114, %parallel_loop3A_128 : vector<16xi32>
        %parallel_loop3A_132 = arith.cmpi uge, %parallel_loop3A_121, %parallel_loop3A_128 : vector<16xi32>
        %parallel_loop3A_133 = arith.select %parallel_loop3A_129, %parallel_loop3A_90, %broadcast_in_dim3A_15 : vector<16xi1>, vector<16xf32>
        %parallel_loop3A_134 = tpu.memref_slice %arg6[%parallel_loop3A_88] : memref<16384xf32, #tpu.memory_space<vmem>> -> memref<64xf32, #tpu.memory_space<vmem>>
        tpu.vector_store_idx %parallel_loop3A_134[%mul3A_5], %parallel_loop3A_133 : memref<64xf32, #tpu.memory_space<vmem>>[vector<16xi32>], vector<16xf32>,
        %parallel_loop3A_135 = arith.select %parallel_loop3A_130, %parallel_loop3A_92, %broadcast_in_dim3A_15 : vector<16xi1>, vector<16xf32>
        %parallel_loop3A_136 = tpu.memref_slice %arg6[%parallel_loop3A_88] : memref<16384xf32, #tpu.memory_space<vmem>> -> memref<64xf32, #tpu.memory_space<vmem>>
        tpu.vector_store_idx %parallel_loop3A_136[%add3A_8], %parallel_loop3A_135 : memref<64xf32, #tpu.memory_space<vmem>>[vector<16xi32>], vector<16xf32>,
        %parallel_loop3A_137 = arith.select %parallel_loop3A_131, %parallel_loop3A_94, %broadcast_in_dim3A_15 : vector<16xi1>, vector<16xf32>
        %parallel_loop3A_138 = tpu.memref_slice %arg6[%parallel_loop3A_88] : memref<16384xf32, #tpu.memory_space<vmem>> -> memref<64xf32, #tpu.memory_space<vmem>>
        tpu.vector_store_idx %parallel_loop3A_138[%add3A_11], %parallel_loop3A_137 : memref<64xf32, #tpu.memory_space<vmem>>[vector<16xi32>], vector<16xf32>,
        %parallel_loop3A_139 = arith.select %parallel_loop3A_132, %parallel_loop3A_96, %broadcast_in_dim3A_15 : vector<16xi1>, vector<16xf32>
        %parallel_loop3A_140 = tpu.memref_slice %arg6[%parallel_loop3A_88] : memref<16384xf32, #tpu.memory_space<vmem>> -> memref<64xf32, #tpu.memory_space<vmem>>
        tpu.vector_store_idx %parallel_loop3A_140[%add3A_14], %parallel_loop3A_139 : memref<64xf32, #tpu.memory_space<vmem>>[vector<16xi32>], vector<16xf32>,
      } {sc.loop_unroll_factor = 4 : i64, sc.parallel_access}
      %dma_start3A_50 = tpu.memref_slice %arg3[%add3A_40] : memref<16777216xf32, #tpu.memory_space<hbm>> -> memref<16384xf32, #tpu.memory_space<hbm>>
      %dma_start3A_51 = tpu.memref_slice %arg3[%add3A_40] : memref<16777216xf32, #tpu.memory_space<hbm>> -> memref<16384xf32, #tpu.memory_space<hbm>>
      tpu.enqueue_dma source(%arg6 : memref<16384xf32, #tpu.memory_space<vmem>>) target(%dma_start3A_51 : memref<16384xf32, #tpu.memory_space<hbm>>) target_semaphore(%arg11 : memref<!tpu.dma_semaphore, #tpu.memory_space<semaphore_mem>>)
      %add3A_52 = arith.constant 2 : i32
      %add3A_53 = arith.addi %mul3A_37, %add3A_52 : i32
      %lt3A = arith.constant 32 : i32
      %lt3A_54 = arith.cmpi slt, %add3A_53, %lt3A : i32
      %convert_element_type3A_55 = arith.extui %lt3A_54 : i1 to i32
      %cond3A_56 = arith.constant 0 : i32
      %cond3A_57 = arith.cmpi ne, %convert_element_type3A_55, %cond3A_56 : i32
      scf.if %cond3A_57 {
        %add3A_86 = arith.constant 32768 : i32
        %add3A_87 = arith.addi %add3A_40, %add3A_86 : i32
        %dma_start3A_88 = arith.constant 0 : i32
        %dma_start3A_89 = arith.constant 0 : i32
        %dma_start3A_90 = tpu.memref_slice %arg8[%arg1, %dma_start3A_88, %dma_start3A_89] : memref<16x2x16384xf32, #tpu.memory_space<vmem_shared>> -> memref<1x1x16384xf32, #tpu.memory_space<vmem_shared>>
        %dma_start3A_91 = tpu.memref_squeeze %dma_start3A_90 : memref<1x1x16384xf32, #tpu.memory_space<vmem_shared>> -> memref<16384xf32, #tpu.memory_space<vmem_shared>>
        %dma_start3A_92 = tpu.memref_slice %arg2[%add3A_87] : memref<16777216xf32, #tpu.memory_space<hbm>> -> memref<16384xf32, #tpu.memory_space<hbm>>
        tpu.enqueue_dma source(%dma_start3A_92 : memref<16384xf32, #tpu.memory_space<hbm>>) target(%dma_start3A_91 : memref<16384xf32, #tpu.memory_space<vmem_shared>>) target_semaphore(%arg9 : memref<!tpu.dma_semaphore, #tpu.memory_space<semaphore_mem>>)
      } else {
      }
      %add3A_58 = arith.constant 1 : i32
      %add3A_59 = arith.addi %mul3A_37, %add3A_58 : i32
      %mul3A_60 = arith.constant 16384 : i32
      %mul3A_61 = arith.muli %add3A_59, %mul3A_60 : i32
      %add3A_62 = arith.addi %mul3A_2, %mul3A_61 : i32
      %dma_wait3A_63 = arith.constant 1 : i32
      %dma_wait3A_64 = arith.constant 0 : i32
      %dma_wait3A_65 = tpu.memref_slice %arg8[%arg1, %dma_wait3A_63, %dma_wait3A_64] : memref<16x2x16384xf32, #tpu.memory_space<vmem_shared>> -> memref<1x1x16384xf32, #tpu.memory_space<vmem_shared>>
      %dma_wait3A_66 = tpu.memref_squeeze %dma_wait3A_65 : memref<1x1x16384xf32, #tpu.memory_space<vmem_shared>> -> memref<16384xf32, #tpu.memory_space<vmem_shared>>
      %dma_wait3A_67 = tpu.memref_slice %arg2[%add3A_62] : memref<16777216xf32, #tpu.memory_space<hbm>> -> memref<16384xf32, #tpu.memory_space<hbm>>
      tpu.wait_dma2 semaphore(%arg10 : memref<!tpu.dma_semaphore, #tpu.memory_space<semaphore_mem>>) src(%dma_wait3A_67 : memref<16384xf32, #tpu.memory_space<hbm>>) dst(%dma_wait3A_66 : memref<16384xf32, #tpu.memory_space<vmem_shared>>)
      %run_scoped3A_68 = arith.constant 1 : i32
      "tpu.region"() ({
        %run_scoped3A_86 = tpu.sem_alloc : memref<!tpu.dma_semaphore, #tpu.memory_space<semaphore_mem>>
        %dma_start3A_87 = arith.constant 0 : i32
        %dma_start3A_88 = tpu.memref_slice %arg8[%arg1, %run_scoped3A_68, %dma_start3A_87] : memref<16x2x16384xf32, #tpu.memory_space<vmem_shared>> -> memref<1x1x16384xf32, #tpu.memory_space<vmem_shared>>
        %dma_start3A_89 = tpu.memref_squeeze %dma_start3A_88 : memref<1x1x16384xf32, #tpu.memory_space<vmem_shared>> -> memref<16384xf32, #tpu.memory_space<vmem_shared>>
        %dma_start3A_90 = arith.constant 0 : i32
        %dma_start3A_91 = tpu.memref_slice %arg8[%arg1, %run_scoped3A_68, %dma_start3A_90] : memref<16x2x16384xf32, #tpu.memory_space<vmem_shared>> -> memref<1x1x16384xf32, #tpu.memory_space<vmem_shared>>
        %dma_start3A_92 = tpu.memref_squeeze %dma_start3A_91 : memref<1x1x16384xf32, #tpu.memory_space<vmem_shared>> -> memref<16384xf32, #tpu.memory_space<vmem_shared>>
        tpu.enqueue_dma source(%dma_start3A_92 : memref<16384xf32, #tpu.memory_space<vmem_shared>>) target(%arg5 : memref<16384xf32, #tpu.memory_space<vmem>>) target_semaphore(%run_scoped3A_86 : memref<!tpu.dma_semaphore, #tpu.memory_space<semaphore_mem>>)
        %dma_wait3A_93 = arith.constant 0 : i32
        %dma_wait3A_94 = tpu.memref_slice %arg8[%arg1, %run_scoped3A_68, %dma_wait3A_93] : memref<16x2x16384xf32, #tpu.memory_space<vmem_shared>> -> memref<1x1x16384xf32, #tpu.memory_space<vmem_shared>>
        %dma_wait3A_95 = tpu.memref_squeeze %dma_wait3A_94 : memref<1x1x16384xf32, #tpu.memory_space<vmem_shared>> -> memref<16384xf32, #tpu.memory_space<vmem_shared>>
        %dma_wait3A_96 = arith.constant 0 : i32
        %dma_wait3A_97 = tpu.memref_slice %arg8[%arg1, %run_scoped3A_68, %dma_wait3A_96] : memref<16x2x16384xf32, #tpu.memory_space<vmem_shared>> -> memref<1x1x16384xf32, #tpu.memory_space<vmem_shared>>
        %dma_wait3A_98 = tpu.memref_squeeze %dma_wait3A_97 : memref<1x1x16384xf32, #tpu.memory_space<vmem_shared>> -> memref<16384xf32, #tpu.memory_space<vmem_shared>>
        tpu.wait_dma2 semaphore(%run_scoped3A_86 : memref<!tpu.dma_semaphore, #tpu.memory_space<semaphore_mem>>) src(%dma_wait3A_98 : memref<16384xf32, #tpu.memory_space<vmem_shared>>) dst(%arg5 : memref<16384xf32, #tpu.memory_space<vmem>>)
        tpu.yield
      }) : () -> ()
      %ge3A_69 = arith.constant 2 : i32
      %ge3A_70 = arith.cmpi sge, %add3A_59, %ge3A_69 : i32
      %convert_element_type3A_71 = arith.extui %ge3A_70 : i1 to i32
      %cond3A_72 = arith.constant 0 : i32
      %cond3A_73 = arith.cmpi ne, %convert_element_type3A_71, %cond3A_72 : i32
      scf.if %cond3A_73 {
        %dma_wait3A_86 = tpu.memref_slice %arg3[%add3A_62] : memref<16777216xf32, #tpu.memory_space<hbm>> -> memref<16384xf32, #tpu.memory_space<hbm>>
        %dma_wait3A_87 = tpu.memref_slice %arg3[%add3A_62] : memref<16777216xf32, #tpu.memory_space<hbm>> -> memref<16384xf32, #tpu.memory_space<hbm>>
        tpu.wait_dma2 semaphore(%arg12 : memref<!tpu.dma_semaphore, #tpu.memory_space<semaphore_mem>>) src(%arg7 : memref<16384xf32, #tpu.memory_space<vmem>>) dst(%dma_wait3A_87 : memref<16384xf32, #tpu.memory_space<hbm>>)
      } else {
      }
      %parallel_loop3A_74 = arith.constant 0 : i32
      %parallel_loop3A_75 = arith.constant 256 : i32
      %parallel_loop3A_76 = arith.constant 1 : i32
      scf.for %parallel_loop3A_86 = %parallel_loop3A_74 to %parallel_loop3A_75 step %parallel_loop3A_76  : i32 {
        %parallel_loop3A_87 = arith.constant 64 : i32
        %parallel_loop3A_88 = arith.muli %parallel_loop3A_86, %parallel_loop3A_87 : i32
        %parallel_loop3A_89 = tpu.memref_slice %arg5[%parallel_loop3A_88] : memref<16384xf32, #tpu.memory_space<vmem>> -> memref<64xf32, #tpu.memory_space<vmem>>
        %parallel_loop3A_90 = tpu.vector_load_idx %parallel_loop3A_89[%mul3A_5] : memref<64xf32, #tpu.memory_space<vmem>>[vector<16xi32>], vector<16xf32>,
        %parallel_loop3A_91 = tpu.memref_slice %arg5[%parallel_loop3A_88] : memref<16384xf32, #tpu.memory_space<vmem>> -> memref<64xf32, #tpu.memory_space<vmem>>
        %parallel_loop3A_92 = tpu.vector_load_idx %parallel_loop3A_91[%add3A_8] : memref<64xf32, #tpu.memory_space<vmem>>[vector<16xi32>], vector<16xf32>,
        %parallel_loop3A_93 = tpu.memref_slice %arg5[%parallel_loop3A_88] : memref<16384xf32, #tpu.memory_space<vmem>> -> memref<64xf32, #tpu.memory_space<vmem>>
        %parallel_loop3A_94 = tpu.vector_load_idx %parallel_loop3A_93[%add3A_11] : memref<64xf32, #tpu.memory_space<vmem>>[vector<16xi32>], vector<16xf32>,
        %parallel_loop3A_95 = tpu.memref_slice %arg5[%parallel_loop3A_88] : memref<16384xf32, #tpu.memory_space<vmem>> -> memref<64xf32, #tpu.memory_space<vmem>>
        %parallel_loop3A_96 = tpu.vector_load_idx %parallel_loop3A_95[%add3A_14] : memref<64xf32, #tpu.memory_space<vmem>>[vector<16xi32>], vector<16xf32>,
        %parallel_loop3A_97 = tpu.bitcast %parallel_loop3A_90 : vector<16xf32> -> vector<16xi32>
        %parallel_loop3A_98 = arith.constant 2147483647 : i32
        %parallel_loop3A_99 = vector.broadcast %parallel_loop3A_98 : i32 to vector<16xi32>
        %parallel_loop3A_100 = arith.andi %parallel_loop3A_97, %parallel_loop3A_99 : vector<16xi32>
        %parallel_loop3A_101 = tpu.bitcast %parallel_loop3A_92 : vector<16xf32> -> vector<16xi32>
        %parallel_loop3A_102 = arith.constant 2147483647 : i32
        %parallel_loop3A_103 = vector.broadcast %parallel_loop3A_102 : i32 to vector<16xi32>
        %parallel_loop3A_104 = arith.andi %parallel_loop3A_101, %parallel_loop3A_103 : vector<16xi32>
        %parallel_loop3A_105 = arith.constant 1 : i32
        %parallel_loop3A_106 = vector.broadcast %parallel_loop3A_105 : i32 to vector<16xi32>
        %parallel_loop3A_107 = arith.addi %parallel_loop3A_104, %parallel_loop3A_106 : vector<16xi32>
        %parallel_loop3A_108 = tpu.bitcast %parallel_loop3A_94 : vector<16xf32> -> vector<16xi32>
        %parallel_loop3A_109 = arith.constant 2147483647 : i32
        %parallel_loop3A_110 = vector.broadcast %parallel_loop3A_109 : i32 to vector<16xi32>
        %parallel_loop3A_111 = arith.andi %parallel_loop3A_108, %parallel_loop3A_110 : vector<16xi32>
        %parallel_loop3A_112 = arith.constant 2 : i32
        %parallel_loop3A_113 = vector.broadcast %parallel_loop3A_112 : i32 to vector<16xi32>
        %parallel_loop3A_114 = arith.addi %parallel_loop3A_111, %parallel_loop3A_113 : vector<16xi32>
        %parallel_loop3A_115 = tpu.bitcast %parallel_loop3A_96 : vector<16xf32> -> vector<16xi32>
        %parallel_loop3A_116 = arith.constant 2147483647 : i32
        %parallel_loop3A_117 = vector.broadcast %parallel_loop3A_116 : i32 to vector<16xi32>
        %parallel_loop3A_118 = arith.andi %parallel_loop3A_115, %parallel_loop3A_117 : vector<16xi32>
        %parallel_loop3A_119 = arith.constant 3 : i32
        %parallel_loop3A_120 = vector.broadcast %parallel_loop3A_119 : i32 to vector<16xi32>
        %parallel_loop3A_121 = arith.addi %parallel_loop3A_118, %parallel_loop3A_120 : vector<16xi32>
        %parallel_loop3A_122 = arith.maxui %parallel_loop3A_100, %parallel_loop3A_107 : vector<16xi32>
        %parallel_loop3A_123 = arith.minui %parallel_loop3A_100, %parallel_loop3A_107 : vector<16xi32>
        %parallel_loop3A_124 = arith.maxui %parallel_loop3A_114, %parallel_loop3A_121 : vector<16xi32>
        %parallel_loop3A_125 = arith.minui %parallel_loop3A_114, %parallel_loop3A_121 : vector<16xi32>
        %parallel_loop3A_126 = arith.minui %parallel_loop3A_122, %parallel_loop3A_124 : vector<16xi32>
        %parallel_loop3A_127 = arith.maxui %parallel_loop3A_123, %parallel_loop3A_125 : vector<16xi32>
        %parallel_loop3A_128 = arith.maxui %parallel_loop3A_126, %parallel_loop3A_127 : vector<16xi32>
        %parallel_loop3A_129 = arith.cmpi uge, %parallel_loop3A_100, %parallel_loop3A_128 : vector<16xi32>
        %parallel_loop3A_130 = arith.cmpi uge, %parallel_loop3A_107, %parallel_loop3A_128 : vector<16xi32>
        %parallel_loop3A_131 = arith.cmpi uge, %parallel_loop3A_114, %parallel_loop3A_128 : vector<16xi32>
        %parallel_loop3A_132 = arith.cmpi uge, %parallel_loop3A_121, %parallel_loop3A_128 : vector<16xi32>
        %parallel_loop3A_133 = arith.select %parallel_loop3A_129, %parallel_loop3A_90, %broadcast_in_dim3A_15 : vector<16xi1>, vector<16xf32>
        %parallel_loop3A_134 = tpu.memref_slice %arg7[%parallel_loop3A_88] : memref<16384xf32, #tpu.memory_space<vmem>> -> memref<64xf32, #tpu.memory_space<vmem>>
        tpu.vector_store_idx %parallel_loop3A_134[%mul3A_5], %parallel_loop3A_133 : memref<64xf32, #tpu.memory_space<vmem>>[vector<16xi32>], vector<16xf32>,
        %parallel_loop3A_135 = arith.select %parallel_loop3A_130, %parallel_loop3A_92, %broadcast_in_dim3A_15 : vector<16xi1>, vector<16xf32>
        %parallel_loop3A_136 = tpu.memref_slice %arg7[%parallel_loop3A_88] : memref<16384xf32, #tpu.memory_space<vmem>> -> memref<64xf32, #tpu.memory_space<vmem>>
        tpu.vector_store_idx %parallel_loop3A_136[%add3A_8], %parallel_loop3A_135 : memref<64xf32, #tpu.memory_space<vmem>>[vector<16xi32>], vector<16xf32>,
        %parallel_loop3A_137 = arith.select %parallel_loop3A_131, %parallel_loop3A_94, %broadcast_in_dim3A_15 : vector<16xi1>, vector<16xf32>
        %parallel_loop3A_138 = tpu.memref_slice %arg7[%parallel_loop3A_88] : memref<16384xf32, #tpu.memory_space<vmem>> -> memref<64xf32, #tpu.memory_space<vmem>>
        tpu.vector_store_idx %parallel_loop3A_138[%add3A_11], %parallel_loop3A_137 : memref<64xf32, #tpu.memory_space<vmem>>[vector<16xi32>], vector<16xf32>,
        %parallel_loop3A_139 = arith.select %parallel_loop3A_132, %parallel_loop3A_96, %broadcast_in_dim3A_15 : vector<16xi1>, vector<16xf32>
        %parallel_loop3A_140 = tpu.memref_slice %arg7[%parallel_loop3A_88] : memref<16384xf32, #tpu.memory_space<vmem>> -> memref<64xf32, #tpu.memory_space<vmem>>
        tpu.vector_store_idx %parallel_loop3A_140[%add3A_14], %parallel_loop3A_139 : memref<64xf32, #tpu.memory_space<vmem>>[vector<16xi32>], vector<16xf32>,
      } {sc.loop_unroll_factor = 4 : i64, sc.parallel_access}
      %dma_start3A_77 = tpu.memref_slice %arg3[%add3A_62] : memref<16777216xf32, #tpu.memory_space<hbm>> -> memref<16384xf32, #tpu.memory_space<hbm>>
      %dma_start3A_78 = tpu.memref_slice %arg3[%add3A_62] : memref<16777216xf32, #tpu.memory_space<hbm>> -> memref<16384xf32, #tpu.memory_space<hbm>>
      tpu.enqueue_dma source(%arg7 : memref<16384xf32, #tpu.memory_space<vmem>>) target(%dma_start3A_78 : memref<16384xf32, #tpu.memory_space<hbm>>) target_semaphore(%arg12 : memref<!tpu.dma_semaphore, #tpu.memory_space<semaphore_mem>>)
      %add3A_79 = arith.constant 2 : i32
      %add3A_80 = arith.addi %add3A_59, %add3A_79 : i32
      %lt3A_81 = arith.constant 32 : i32
      %lt3A_82 = arith.cmpi slt, %add3A_80, %lt3A_81 : i32
      %convert_element_type3A_83 = arith.extui %lt3A_82 : i1 to i32
      %cond3A_84 = arith.constant 0 : i32
      %cond3A_85 = arith.cmpi ne, %convert_element_type3A_83, %cond3A_84 : i32
      scf.if %cond3A_85 {
        %add3A_86 = arith.constant 32768 : i32
        %add3A_87 = arith.addi %add3A_62, %add3A_86 : i32
        %dma_start3A_88 = arith.constant 1 : i32
        %dma_start3A_89 = arith.constant 0 : i32
        %dma_start3A_90 = tpu.memref_slice %arg8[%arg1, %dma_start3A_88, %dma_start3A_89] : memref<16x2x16384xf32, #tpu.memory_space<vmem_shared>> -> memref<1x1x16384xf32, #tpu.memory_space<vmem_shared>>
        %dma_start3A_91 = tpu.memref_squeeze %dma_start3A_90 : memref<1x1x16384xf32, #tpu.memory_space<vmem_shared>> -> memref<16384xf32, #tpu.memory_space<vmem_shared>>
        %dma_start3A_92 = tpu.memref_slice %arg2[%add3A_87] : memref<16777216xf32, #tpu.memory_space<hbm>> -> memref<16384xf32, #tpu.memory_space<hbm>>
        tpu.enqueue_dma source(%dma_start3A_92 : memref<16384xf32, #tpu.memory_space<hbm>>) target(%dma_start3A_91 : memref<16384xf32, #tpu.memory_space<vmem_shared>>) target_semaphore(%arg10 : memref<!tpu.dma_semaphore, #tpu.memory_space<semaphore_mem>>)
      } else {
      }
    }
    %scan3A_31 = arith.constant 16 : i32
    %dma_wait3A = tpu.memref_slice %arg3[%mul3A_2] : memref<16777216xf32, #tpu.memory_space<hbm>> -> memref<16384xf32, #tpu.memory_space<hbm>>
    %dma_wait3A_32 = tpu.memref_slice %arg3[%mul3A_2] : memref<16777216xf32, #tpu.memory_space<hbm>> -> memref<16384xf32, #tpu.memory_space<hbm>>
    tpu.wait_dma2 semaphore(%arg11 : memref<!tpu.dma_semaphore, #tpu.memory_space<semaphore_mem>>) src(%arg6 : memref<16384xf32, #tpu.memory_space<vmem>>) dst(%dma_wait3A_32 : memref<16384xf32, #tpu.memory_space<hbm>>)
    %dma_wait3A_33 = tpu.memref_slice %arg3[%mul3A_2] : memref<16777216xf32, #tpu.memory_space<hbm>> -> memref<16384xf32, #tpu.memory_space<hbm>>
    %dma_wait3A_34 = tpu.memref_slice %arg3[%mul3A_2] : memref<16777216xf32, #tpu.memory_space<hbm>> -> memref<16384xf32, #tpu.memory_space<hbm>>
    tpu.wait_dma2 semaphore(%arg12 : memref<!tpu.dma_semaphore, #tpu.memory_space<semaphore_mem>>) src(%arg7 : memref<16384xf32, #tpu.memory_space<vmem>>) dst(%dma_wait3A_34 : memref<16384xf32, #tpu.memory_space<hbm>>)
    return
  }
}

</mosaic_0001>

<sc_bundles>
// kernel: kernel.3.cloned.1.call-start
scs
__scs_entry_jumppad:
0x0: {  	(pc) =	sbr.rel $0x88, $3  }
0x1: {  	(tag) =	ssettag $0x0;
	lr =	simm.s32 $0x1  }
0x2: {  	[smem:$0x3FA0] =	sst lr;
	_ =	strace $0xD0000000  }
0x3: {  	_ = 	snop  }
0x4: {  	_ = 	snop  }
0x5: {  	_ = 	snop  }
0x6: {  	_ = 	snop  }
0x7: {  	_ = 	snop  }
__scs_overlays_trampoline_lowered:
0x8: {  	[smem:$0x3FAF] =	sst s0  }
0x9: {  	[smem:$0x3FB0] =	sst s1  }
0xa: {  	[smem:$0x3FB1] =	sst s2  }
0xb: {  	[smem:$0x3FB2] =	sst s3  }
0xc: {  	[smem:$0x3FB3] =	sst s4  }
0xd: {  	[smem:$0x3FB4] =	sst s5  }
0xe: {  	[smem:$0x3FB5] =	sst s6  }
0xf: {  	[smem:$0x3FB6] =	sst s7  }
0x10: {  	[smem:$0x3FB7] =	sst s8  }
0x11: {  	[smem:$0x3FB8] =	sst s9;
	s0 =	simm.s32 @!p0 $0x0  }
0x12: {  	s1 =	sld [smem:$0x3F9E];
	s0 =	simm.s32 @p0 $0x1  }
0x13: {  	[smem:$0x3FB9] =	sst s0;
	s0 =	simm.s32 @!p1 $0x0  }
0x14: {  	s2 =	sld [smem:$0x3F9D];
	s0 =	simm.s32 @p1 $0x1  }
0x15: {  	[smem:$0x3FBA] =	sst s0;
	s0 =	simm.s32 @!p2 $0x0  }
0x16: {  	s3 =	sld [smem:$0x3FDB];
	s0 =	simm.s32 @p2 $0x1  }
0x17: {  	s4 =	simm.s32 $0x1BF5;
	[smem:$0x3FBC] =	sst s0  }
0x18: {  	s0 =	sld [smem:$0x3F9F];
	_ =	swait.ge [sflag:s4], $0x0  }
0x19: {  	s7 =	sld [smem:$0x3FA0]  }
0x1a: {  	s8 =	sadd.s32 $0xFFFFE003, lr  }
0x1b: {  	s9 =	sadd.s32 $0xFFFFFEF7, lr;
	s5 =	simm.s32 $0xFFFFFFFF;
	p2 =	slt.u32 s8, $0xFFFFF086  }
0x1c: {  	p1 =	slt.u32 s9, $0xF7A;
	s5 =	simm.s32 @!p2 $0x0  }
0x1d: {  	s5 =	simm.s32 @p1 $0x1;
	p0 =	seq.s32 s7, s2  }
0x1e: {  	s7 =	smul.u32 @!p0 $0xF7A, s2;
	p2 =	seq.s32 @!p0 s5, $0x0  }
0x1f: {  	s9 =	smul.u32 $0xF7A, s1;
	s8 =	simm.s32 @!p0 $0x1BF5;
	p2 =	por !p2, p0  }
0x20: {  	[sflag:s8] =	ssyncset.s32 @!p0 $0xFFFFF086;
	s6 =	sadd.s32 @!p0 s3, s7;
	s7 =	simm.s32 @!p0 $0x108  }
0x21: {  	s3 =	sadd.s32 s3, s9;
	s6 =	sadd.s32 @!p0 $0x88, s6;
	s7 =	simm.s32 @p2 $0x1082  }
0x22: {  	[simem:s7], [sflag:s8] =	dma.local @!p0 [hbm:s6], $0xF7A  }
0x23: {  	s9 =	sor.u32 $0xD0000000, s2;
	s6 =	simm.s32 $0x108;
	_ =	swait.ge @!p0 [sflag:s8], $0x0  }
0x24: {  	s3 =	sadd.s32 $0x88, s3;
	s6 =	simm.s32 @!p1 $0x1082;
	[sflag:s4] =	ssyncset.s32 $0xFFFFF086  }
0x25: {  	[simem:s6], [sflag:s4] =	dma.local [hbm:s3], $0xF7A  }
0x26: {  	[smem:$0x3FA0] =	sst s1;
	(tag) =	ssettag s2;
	_ =	strace s9  }
0x27: {  	s1 =	sld [smem:$0x3FB0]  }
0x28: {  	s2 =	sld [smem:$0x3FB1]  }
0x29: {  	s4 =	sld [smem:$0x3FB3]  }
0x2a: {  	p0 =	seq.s32 s5, $0x0;
	s5 =	sld [smem:$0x3FB4]  }
0x2b: {  	s6 =	sld [smem:$0x3FB5]  }
0x2c: {  	s7 =	sld [smem:$0x3FB6]  }
0x2d: {  	s3 =	simm.s32 $0x108;
	s8 =	sld [smem:$0x3FB7]  }
0x2e: {  	s3 =	simm.s32 @!p0 $0x1082;
	s9 =	sld [smem:$0x3FB8]  }
0x2f: {  	lr =	sadd.s32 s0, s3;
	s0 =	sld [smem:$0x3FAF]  }
0x30: {  	s3 =	sld [smem:$0x3FB2]  }
0x31: {  	[smem:$0x3FBB] =	sst s10  }
0x32: {  	s10 =	sld [smem:$0x3FB9];
	_ =	sdelay $0x3  }
0x33: {  	p0 =	seq.s32 s10, $0x1;
	s10 =	sld [smem:$0x3FBB];
	_ =	sdelay $0x3  }
0x34: {  	[smem:$0x3FBB] =	sst s10  }
0x35: {  	s10 =	sld [smem:$0x3FBA];
	_ =	sdelay $0x3  }
0x36: {  	p1 =	seq.s32 s10, $0x1;
	s10 =	sld [smem:$0x3FBB];
	_ =	sdelay $0x3  }
0x37: {  	[smem:$0x3FBB] =	sst s10  }
0x38: {  	s10 =	sld [smem:$0x3FBC]  }
0x39: {  	_ = 	snop;
	(pc) =	sbr.ind lr, $3  }
0x3a: {  	_ = 	snop  }
0x3b: {  	_ = 	snop  }
0x3c: {  	p2 =	seq.s32 s10, $0x1;
	s10 =	sld [smem:$0x3FBB]  }
0x3d: {  	_ =	shalt  }
0x3e: {  	_ =	shalt  }
0x3f: {  	_ =	shalt  }
0x40: {  	_ =	shalt  }
0x41: {  	_ =	shalt  }
0x42: {  	_ =	shalt  }
0x43: {  	_ =	shalt  }
0x44: {  	_ =	shalt  }
0x45: {  	_ =	shalt  }
0x46: {  	_ =	shalt  }
0x47: {  	_ =	shalt  }
0x48: {  	_ =	shalt  }
0x49: {  	_ =	shalt  }
0x4a: {  	_ =	shalt  }
0x4b: {  	_ =	shalt  }
0x4c: {  	_ =	shalt  }
0x4d: {  	_ =	shalt  }
0x4e: {  	_ =	shalt  }
0x4f: {  	_ =	shalt  }
0x50: {  	_ =	shalt  }
0x51: {  	_ =	shalt  }
0x52: {  	_ =	shalt  }
0x53: {  	_ =	shalt  }
0x54: {  	_ =	shalt  }
0x55: {  	_ =	shalt  }
0x56: {  	_ =	shalt  }
0x57: {  	_ =	shalt  }
0x58: {  	_ =	shalt  }
0x59: {  	_ =	shalt  }
0x5a: {  	_ =	shalt  }
0x5b: {  	_ =	shalt  }
0x5c: {  	_ =	shalt  }
0x5d: {  	_ =	shalt  }
0x5e: {  	_ =	shalt  }
0x5f: {  	_ =	shalt  }
0x60: {  	_ =	shalt  }
0x61: {  	_ =	shalt  }
0x62: {  	_ =	shalt  }
0x63: {  	_ =	shalt  }
0x64: {  	_ =	shalt  }
0x65: {  	_ =	shalt  }
0x66: {  	_ =	shalt  }
0x67: {  	_ =	shalt  }
0x68: {  	_ =	shalt  }
0x69: {  	_ =	shalt  }
0x6a: {  	_ =	shalt  }
0x6b: {  	_ =	shalt  }
0x6c: {  	_ =	shalt  }
0x6d: {  	_ =	shalt  }
0x6e: {  	_ =	shalt  }
0x6f: {  	_ =	shalt  }
0x70: {  	_ =	shalt  }
0x71: {  	_ =	shalt  }
0x72: {  	_ =	shalt  }
0x73: {  	_ =	shalt  }
0x74: {  	_ =	shalt  }
0x75: {  	_ =	shalt  }
0x76: {  	_ =	shalt  }
0x77: {  	_ =	shalt  }
0x78: {  	_ =	shalt  }
0x79: {  	_ =	shalt  }
0x7a: {  	_ =	shalt  }
0x7b: {  	_ =	shalt  }
0x7c: {  	_ =	shalt  }
0x7d: {  	_ =	shalt  }
0x7e: {  	_ =	shalt  }
0x7f: {  	_ =	shalt  }
0x80: {  	_ =	shalt  }
0x81: {  	_ =	shalt  }
0x82: {  	_ =	shalt  }
0x83: {  	_ =	shalt  }
0x84: {  	_ =	shalt  }
0x85: {  	_ =	shalt  }
0x86: {  	_ =	shalt  }
0x87: {  	_ =	shalt  }
.Lfunc_end0:
.L_simem_size_0:
called_computation.1_lowered:
.L_overlay_start_0:
0x88: {  	s2 =	sld [smem:$0x3FD9]  }
0x89: {  	s3 =	sld [smem:$0x3FFE];
	_ =	sdelay $0x1  }
0x8a: {  	s1 =	srdreg.scid  }
0x8b: {  	s0 =	sand.u32 $0x1, s1  }
0x8c: {  	s17 =	sshll.u32 s0, $0xA;
	s2 =	sadd.s32 s3, s2  }
0x8d: {  	s2 =	sadd.s32 s2, s17  }
0x8e: {  	[smem:$0x3FC7] =	sst s2  }
0x8f: {  	_ = 	snop  }
0x90: {  	s2 =	sld [smem:$0x3FD0];
	(tm) =	ssettm $0x1  }
0x91: {  	s18 =	sld [smem:$0x3FFB];
	_ =	sdelay $0x3  }
0x92: {  	_ =	strace s18  }
0x93: {  	s3 =	sld [smem:$0x3FFC];
	_ =	sdelay $0x3  }
0x94: {  	_ =	strace s3  }
0x95: {  	s3 =	sld [smem:$0x3FFD];
	_ =	sdelay $0x3  }
0x96: {  	_ =	strace s3  }
0x97: {  	_ =	strace $0x8FFFFFFF  }
0x98: {  	s19 =	sld [smem:$0x3FDB];
	_ =	sdelay $0x1  }
0x99: {  	s4 =	simm.s32 $_scs_section_size  }
0x9a: {  	s5 =	simm.s32 $_size__tile_overlayer_lowered;
	s6 =	simm.s32 $_tile_overlayer_lowered  }
0x9b: {  	s22 =	simm.s32 $0x1BFF;
	s21 =	sshll.u32 s6, $0x1;
	s3 =	sadd.s32 s4, s19  }
0x9c: {  	s7 =	simm.s32 $0x0;
	s20 =	sshll.u32 s5, $0x1;
	s5 =	sadd.s32 s21, s3  }
0x9d: {  	[timem:s7], [sflag:s22] =	dma.local [hbm:s5], s20  }
0x9e: {  	_ =	swait.ge [sflag:s22], s20  }
0x9f: {  	s4 =	ssub.s32 $0x0, s20;
	[sflag:s22] =	ssyncset.done $0x0  }
0xa0: {  	[sflag:s22] =	ssyncadd.s32 s4;
	_ =	sdelay $0x1  }
0xa1: {  	s23 =	simm.s32 $0x1B8B  }
0xa2: {  	_ =	swait.ge [sflag:s23], $0x1  }
0xa3: {  	[sflag:s23] =	ssyncset.done $0x0  }
0xa4: {  	s25 =	simm.s32 $0x1B8E;
	s24 =	sld [smem:$0x3FFE];
	[sflag:s23] =	ssyncadd.s32 $0xFFFFFFFF  }
0xa5: {  	s26 =	simm.s32 $execute0_lowered;
	[smem:$0x3FD2] =	sst s25  }
0xa6: {  	s5 =	sshll.u32 s26, $0x1;
	_ =	strace $0x80000049;
	[dreg:$0x1] =	wrdreg $0xFFFFFFFF  }
0xa7: {  	s28 =	simm.s32 $_size_execute0_lowered;
	s3 =	sadd.s32 s3, s5;
	[dreg:$0x0] =	wrdreg $0x0  }
0xa8: {  	s5 =	sshll.u32 s28, $0x1;
	[dreg:$0x2] =	wrdreg s3  }
0xa9: {  	[dreg:$0x3] =	wrdreg s5  }
0xaa: {  	[dreg:$0x4] =	wrdreg $0xC0  }
0xab: {  	_ =	task [dreg:s7], $0x5FFFF  }
0xac: {  	[dreg:$0x1] =	wrdreg $0xFFFFFFFF  }
0xad: {  	[dreg:$0x0] =	wrdreg $0x60  }
0xae: {  	[dreg:$0x2] =	wrdreg s2  }
0xaf: {  	[dreg:$0x3] =	wrdreg s24  }
0xb0: {  	[dreg:$0x4] =	wrdreg $0x100000  }
0xb1: {  	[dreg:$0x5] =	wrdreg $0x9  }
0xb2: {  	_ =	task.clear_ibuf [dreg:s7], $0x6FFFF;
	_ =	strace $0x90000049  }
0xb3: {  	s29 =	simm.s32 $0x9;
	_ =	strace $0x8000004B  }
0xb4: {  	_ =	swait.ge [sflag:s29], $0x1  }
0xb5: {  	[sflag:s29] =	ssyncadd.s32 $0xFFFFFFFF  }
0xb6: {  	_ =	strace $0x9000004B  }
0xb7: {  	_ =	sfence  }
0xb8: {  	s30 =	sld [smem:$0x0];
	_ =	sdelay $0x2  }
0xb9: {  	s31 =	sshll.u32 s1, $0xD;
	s1 =	sshrl.u32 s1, $0x2  }
0xba: {  	s3 =	sand.u32 $0x4000, s31;
	s1 =	sadd.s32 s1, s30  }
0xbb: {  	s0 =	sor.u32 s3, s0;
	s1 =	sshll.u32 s1, $0x11  }
0xbc: {  	s0 =	sor.u32 s1, s0  }
0xbd: {  	s0 =	sadd.s32 $0x8F2B, s0  }
0xbe: {  	[sflag:s0] =	ssyncadd.remote.s32 $0x1  }
0xbf: {  	_ =	sfence.sel $0xFFFF  }
0xc0: {  	[dreg:$0x0] =	wrdreg $0xFFFFFFFF;
	(pc) =	sbr.abs _section_cstart, $3  }
0xc1: {  	[dreg:$0x1] =	wrdreg $0xFFFFFFFF  }
0xc2: {  	_ =	task.clear_ibuf [dreg:s7], $0x2FFFF;
	_ =	strace $0x9FFFFFFF  }
0xc3: {  	(tm) =	ssettm $0x7FFFFFFF  }
tec
execute0_lowered:
.L_overlay_start_1:
0x0: {  	(tag) =	ssettag $0x1  }
0x1: {  	s1 =	rddreg [dreg:$0x0]  }
0x2: {  	s0 =	rddreg [dreg:$0x1]  }
0x3: {  	s3 =	rddreg [dreg:$0x2];
	s2 =	simm.s32 $0x0;
	s4 =	srdreg.scid  }
0x4: {  	s8 =	stileid.u32;
	s13 =	simm.s32 $0x1;
	s14 =	simm.s32 $0x20  }
0x5: {  	s15 =	simm.s32 $0x10;
	s18 =	simm.s32 $0x80;
	s19 =	simm.s32 $0x100  }
0x6: {  	s20 =	simm.s32 $0x5;
	s21 =	simm.s32 $0x8000;
	s22 =	simm.s32 $0x2  }
0x7: {  	s23 =	simm.s32 $0x4000;
	s24 =	simm.s32 $0xC000;
	s25 =	simm.s32 $0x3  }
0x8: {  	s26 =	simm.s32 $0x4;
	s28 =	simm.s32 $0x0;
	[smem:$0x7FF] =	sst s2  }
0x9: {  	s5 =	sand.u32 $0x1, s4;
	s4 =	sadd.s32 $0x800, s0;
	s7 =	sshll.u32 s8, $0x14  }
0xa: {  	s30 =	sshll.u32 s8, $0xF;
	s10 =	sshll.u32 s8, $0x6;
	_ =	strace $0x8000004A  }
0xb: {  	v0 =	vlaneseq.u32;
	s29 =	ssub.s32 $0x2, s5;
	s5 =	sshll.u32 s5, $0x13;
	s8 =	sor.u32 $0x1C01, s10  }
.Ltmp0:
0xc: {  	v0 =	vmul.u32 $0x4, v0;
	s6 =	sshrl.u32 s29, $0x1;
	s5 =	sor.u32 s5, s7;
	(pc) =	sbr.rel .LBB2_1-.Ltmp0, $4  }
0xd: {  	s16 =	sor.u32 $0x1C02, s10;
	s0 =	ssub.s32 s29, s6;
	s31 =	sshrl.u32 s5, $0x3  }
0xe: {  	v1 =	vor.u32 $0x1, v0;
	s6 =	sadd.s32 s30, s3;
	s7 =	sadd.s32 s1, s31;
	s0 =	smax.u32 s0, $0x1  }
0xf: {  	v2 =	vor.u32 $0x2, v0;
	s9 =	sadd.s32 $0x80, s6;
	s3 =	sadd.s32 $0x800, s7;
	[dreg:$0x5] =	wrdreg s0  }
0x10: {  	v3 =	vor.u32 $0x3, v0;
	s12 =	sshrl.u32 s6, $0x3;
	s17 =	sshrl.u32 s9, $0x3;
	[dreg:$0x4] =	wrdreg s3  }
.LBB2_8:
0x11: {  	_ =	swait.ge [sflag:s25], $0x4000  }
0x12: {  	[sflag:s25] =	ssyncset.done $0x0  }
0x13: {  	[sflag:s25] =	ssyncadd.s32 $0xFFFFC000  }
0x14: {  	_ =	swait.ge [sflag:s26], $0x4000  }
0x15: {  	s28 =	sadd.s32 $0x1, s28;
	s0 =	rddreg [dreg:$0x5]  }
0x16: {  	p0 =	sne.s32 s28, s0  }
.Ltmp1:
0x17: {  	_ = 	snop;
	(pc) =	sbr.rel @!p0 .LBB2_9-.Ltmp1, $3  }
0x18: {  	_ =	sdelay $0x1  }
0x19: {  	[sflag:s26] =	ssyncset.done $0x0  }
0x1a: {  	[sflag:s26] =	ssyncadd.s32 $0xFFFFC000  }
.LBB2_1:
0x1b: {  	[spmem:s12@s14], [sflag:s8] =	dma.strided [hbm:s7@s15], $0x800, s13, $0x10   }
0x1c: {  	s29 =	simm.s32 $0x0;
	s0 =	rddreg [dreg:$0x4]  }
0x1d: {  	[spmem:s17@s14], [sflag:s16] =	dma.strided [hbm:s0@s15], $0x800, s13, $0x10   }
.LBB2_2:
0x1e: {  	_ =	swait.ge [sflag:s13], $0x800  }
0x1f: {  	[sflag:s13] =	ssyncset.done $0x0  }
0x20: {  	[sflag:s13] =	ssyncadd.s32 $0xFFFFF800  }
0x21: {  	[tilespmem:s2], [sflag:$0x5] =	stream.strided.gather [spmem:s6], $0x4000, s19, s18, $0x38;
	[tilespmem:$0x18000] =	vst v63  }
0x22: {  	_ =	swait.ge [sflag:s20], $0x4000  }
0x23: {  	p0 =	seq.s32 s29, $0x0;
	[sflag:s20] =	ssyncset.done $0x0  }
0x24: {  	s0 =	simm.s32 @!p0 $0x3;
	[sflag:s20] =	ssyncadd.s32 $0xFFFFC000  }
0x25: {  	_ =	swait.ge @!p0 [sflag:s0], $0x4000  }
0x26: {  	[sflag:s0] =	ssyncset.done @!p0 $0x0  }
0x27: {  	s31 =	simm.s32 $0x0;
	[sflag:s0] =	ssyncadd.s32 @!p0 $0xFFFFC000  }
0x28: {  	v13 =	vld.idx.msk [tilespmem:v0+s31+$0xC0], $0xffff  }
0x29: {  	v16 =	vld.idx.msk [tilespmem:v1+s31+$0xC0], $0xffff  }
0x2a: {  	v17 =	vld.idx.msk [tilespmem:v2+s31+$0xC0], $0xffff  }
0x2b: {  	v18 =	vld.idx.msk [tilespmem:v3+s31+$0xC0], $0xffff  }
0x2c: {  	v4 =	vld.idx.msk [tilespmem:v1+s31+$0x0], $0xffff  }
0x2d: {  	v5 =	vld.idx.msk [tilespmem:v2+s31+$0x0], $0xffff  }
0x2e: {  	v8 =	vld.idx.msk [tilespmem:v3+s31+$0x0], $0xffff  }
0x2f: {  	v6 =	vld.idx.msk [tilespmem:v1+s31+$0x40], $0xffff;
	v14 =	vand.u32 $0x7FFFFFFF, v13;
	v9 =	vand.u32 $0x7FFFFFFF, v16  }
0x30: {  	v7 =	vld.idx.msk [tilespmem:v2+s31+$0x40], $0xffff;
	v10 =	vand.u32 $0x7FFFFFFF, v17;
	v11 =	vand.u32 $0x7FFFFFFF, v18;
	v19 =	vadd.s32 $0x1, v9  }
0x31: {  	v20 =	vadd.s32 $0x2, v10;
	v21 =	vadd.s32 $0x3, v11;
	v12 =	vmax.u32 v14, v19  }
0x32: {  	v15 =	vmin.u32 v14, v19;
	v22 =	vmax.u32 v20, v21;
	v23 =	vmin.u32 v20, v21  }
0x33: {  	v24 =	vand.u32 $0x7FFFFFFF, v4;
	v9 =	vld.idx.msk [tilespmem:v3+s31+$0x40], $0xffff;
	v22 =	vmin.u32 v12, v22;
	v15 =	vmax.u32 v15, v23  }
0x34: {  	v25 =	vand.u32 $0x7FFFFFFF, v8;
	v26 =	vand.u32 $0x7FFFFFFF, v6;
	v10 =	vld.idx.msk [tilespmem:v1+s31+$0x80], $0xffff;
	v22 =	vmax.u32 v22, v15  }
0x35: {  	v27 =	vand.u32 $0x7FFFFFFF, v7;
	v11 =	vld.idx.msk [tilespmem:v2+s31+$0x80], $0xffff;
	v23 =	vand.u32 $0x7FFFFFFF, v5;
	vm0 =	vgt.u32 v22, v14  }
0x36: {  	vm1 =	vlt.u32 v19, v22;
	vm14 =	vlt.u32 v20, v22;
	vm15 =	vlt.u32 v21, v22  }
0x37: {  	v12 =	vld.idx.msk [tilespmem:v3+s31+$0x80], $0xffff;
	v22 =	vadd.s32 $0x1, v24;
	v24 =	vadd.s32 $0x2, v23;
	v23 =	vadd.s32 $0x3, v25  }
0x38: {  	v15 =	vld.idx.msk [tilespmem:v0+s31+$0x0], $0xffff;
	v20 =	vadd.s32 $0x1, v26;
	v21 =	vadd.s32 $0x2, v27;
	v28 =	vand.u32 $0x7FFFFFFF, v9  }
0x39: {  	v14 =	vld.idx.msk [tilespmem:v0+s31+$0x40], $0xffff;
	v19 =	vsel vm0, $0x0, v13;
	v29 =	vand.u32 $0x7FFFFFFF, v10;
	v16 =	vsel vm1, $0x0, v16  }
0x3a: {  	v30 =	vand.u32 $0x7FFFFFFF, v11;
	v31 =	vsel vm14, $0x0, v17;
	v33 =	vsel vm15, $0x0, v18  }
0x3b: {  	v13 =	vld.idx.msk [tilespmem:v0+s31+$0x80], $0xffff;
	[tilespmem:v0+s31+$0x80C0] =	vst.idx.msk $0xffff, v19;
	v19 =	vadd.s32 $0x3, v28;
	v17 =	vadd.s32 $0x1, v29;
	v18 =	vadd.s32 $0x2, v30  }
0x3c: {  	v30 =	vmax.u32 v24, v23;
	v32 =	vand.u32 $0x7FFFFFFF, v12;
	v34 =	vmax.u32 v21, v19  }
0x3d: {  	[tilespmem:v1+s31+$0x80C0] =	vst.idx.msk $0xffff, v16;
	v35 =	vmin.u32 v21, v19;
	v27 =	vand.u32 $0x7FFFFFFF, v15;
	v16 =	vadd.s32 $0x3, v32  }
0x3e: {  	[tilespmem:v2+s31+$0x80C0] =	vst.idx.msk $0xffff, v31;
	v31 =	vmin.u32 v24, v23;
	v28 =	vmax.u32 v27, v22;
	v26 =	vand.u32 $0x7FFFFFFF, v14  }
0x3f: {  	v29 =	vmin.u32 v27, v22;
	v38 =	vmax.u32 v18, v16;
	v39 =	vmin.u32 v18, v16  }
0x40: {  	[tilespmem:v3+s31+$0x80C0] =	vst.idx.msk $0xffff, v33;
	v25 =	vand.u32 $0x7FFFFFFF, v13;
	v62 =	vmax.u32 v26, v20;
	v63 =	vmin.u32 v26, v20  }
0x41: {  	v28 =	vmin.u32 v28, v30;
	v29 =	vmax.u32 v29, v31;
	v36 =	vmax.u32 v25, v17  }
0x42: {  	s11 =	sshll.u32 s29, $0xF;
	v37 =	vmin.u32 v25, v17;
	v31 =	vmin.u32 v62, v34;
	v32 =	vmax.u32 v63, v35  }
0x43: {  	s30 =	simm.s32 $0x0;
	s3 =	simm.s32 $0x400;
	s0 =	sor.u32 s5, s11;
	v30 =	vmax.u32 v28, v29;
	v28 =	vmin.u32 v36, v38;
	v29 =	vmax.u32 v37, v39  }
.LBB2_3:
0x44: {  	s10 =	sshra.s32 s3, $0x2;
	vm0 =	vgt.u32 v30, v27;
	v27 =	vmax.u32 v31, v32;
	v28 =	vmax.u32 v28, v29  }
0x45: {  	vm1 =	vlt.u32 v22, v30;
	vm2 =	vlt.u32 v24, v30;
	vm3 =	vlt.u32 v23, v30;
	v29 =	vld.idx.msk [tilespmem:v0+s10+$0xC0], $0xffff  }
0x46: {  	vm4 =	vgt.u32 v27, v26;
	vm5 =	vlt.u32 v20, v27;
	vm6 =	vlt.u32 v21, v27;
	v22 =	vld.idx.msk [tilespmem:v1+s10+$0xC0], $0xffff  }
0x47: {  	vm7 =	vlt.u32 v19, v27;
	vm8 =	vgt.u32 v28, v25;
	vm9 =	vlt.u32 v17, v28;
	v20 =	vld.idx.msk [tilespmem:v2+s10+$0xC0], $0xffff  }
0x48: {  	v15 =	vsel vm0, $0x0, v15;
	vm0 =	vlt.u32 v18, v28;
	vm10 =	vlt.u32 v16, v28;
	v17 =	vld.idx.msk [tilespmem:v3+s10+$0xC0], $0xffff  }
0x49: {  	v16 =	vsel vm2, $0x0, v5;
	v18 =	vsel vm3, $0x0, v8;
	[tilespmem:v0+s31+$0x8000] =	vst.idx.msk $0xffff, v15;
	v15 =	vsel vm1, $0x0, v4;
	v4 =	vld.idx.msk [tilespmem:v1+s10+$0x0], $0xffff  }
0x4a: {  	s30 =	sadd.s32 $0x4, s30;
	v14 =	vsel vm4, $0x0, v14;
	v19 =	vsel vm6, $0x0, v7;
	v5 =	vld.idx.msk [tilespmem:v2+s10+$0x0], $0xffff;
	[tilespmem:v1+s31+$0x8000] =	vst.idx.msk $0xffff, v15;
	v15 =	vsel vm5, $0x0, v6  }
0x4b: {  	p1 =	slt.u32 s30, $0xFC;
	v13 =	vsel vm8, $0x0, v13;
	v21 =	vsel vm9, $0x0, v10;
	v8 =	vld.idx.msk [tilespmem:v3+s10+$0x0], $0xffff;
	[tilespmem:v2+s31+$0x8000] =	vst.idx.msk $0xffff, v16;
	v16 =	vsel vm7, $0x0, v9  }
0x4c: {  	v25 =	vsel vm10, $0x0, v12;
	v6 =	vld.idx.msk [tilespmem:v1+s10+$0x40], $0xffff;
	[tilespmem:v3+s31+$0x8000] =	vst.idx.msk $0xffff, v18;
	v18 =	vsel vm0, $0x0, v11  }
0x4d: {  	v23 =	vand.u32 $0x7FFFFFFF, v29;
	v10 =	vand.u32 $0x7FFFFFFF, v22;
	v7 =	vld.idx.msk [tilespmem:v2+s10+$0x40], $0xffff;
	[tilespmem:v0+s31+$0x8040] =	vst.idx.msk $0xffff, v14  }
0x4e: {  	v24 =	vadd.s32 $0x1, v10;
	v11 =	vand.u32 $0x7FFFFFFF, v20;
	v12 =	vand.u32 $0x7FFFFFFF, v17;
	v9 =	vld.idx.msk [tilespmem:v3+s10+$0x40], $0xffff;
	[tilespmem:v1+s31+$0x8040] =	vst.idx.msk $0xffff, v15  }
0x4f: {  	v26 =	vadd.s32 $0x2, v11;
	v14 =	vmax.u32 v23, v24;
	v27 =	vadd.s32 $0x3, v12;
	v10 =	vld.idx.msk [tilespmem:v1+s10+$0x80], $0xffff;
	[tilespmem:v2+s31+$0x8040] =	vst.idx.msk $0xffff, v19  }
0x50: {  	v15 =	vmin.u32 v23, v24;
	v19 =	vmax.u32 v26, v27;
	v28 =	vmin.u32 v26, v27;
	v11 =	vld.idx.msk [tilespmem:v2+s10+$0x80], $0xffff  }
0x51: {  	v30 =	vand.u32 $0x7FFFFFFF, v4;
	v14 =	vmin.u32 v14, v19;
	v19 =	vmax.u32 v15, v28;
	v12 =	vld.idx.msk [tilespmem:v3+s10+$0x80], $0xffff  }
0x52: {  	v28 =	vand.u32 $0x7FFFFFFF, v5;
	v31 =	vand.u32 $0x7FFFFFFF, v8;
	v19 =	vmax.u32 v14, v19;
	v15 =	vld.idx.msk [tilespmem:v0+s10+$0x0], $0xffff;
	[tilespmem:v3+s31+$0x8040] =	vst.idx.msk $0xffff, v16  }
0x53: {  	v16 =	vand.u32 $0x7FFFFFFF, v6;
	v32 =	vand.u32 $0x7FFFFFFF, v7;
	vm0 =	vgt.u32 v19, v23;
	v14 =	vld.idx.msk [tilespmem:v0+s10+$0x40], $0xffff;
	[tilespmem:v0+s31+$0x8080] =	vst.idx.msk $0xffff, v13  }
0x54: {  	vm1 =	vlt.u32 v24, v19;
	v33 =	vand.u32 $0x7FFFFFFF, v9;
	v23 =	vsel vm0, $0x0, v29;
	v13 =	vld.idx.msk [tilespmem:v0+s10+$0x80], $0xffff;
	[tilespmem:v1+s31+$0x8080] =	vst.idx.msk $0xffff, v21  }
0x55: {  	vm0 =	vlt.u32 v26, v19;
	v29 =	vand.u32 $0x7FFFFFFF, v10;
	v21 =	vsel vm1, $0x0, v22;
	[tilespmem:v0+s10+$0x80C0] =	vst.idx.msk $0xffff, v23  }
0x56: {  	vm1 =	vlt.u32 v27, v19;
	v19 =	vsel vm0, $0x0, v20;
	v26 =	vand.u32 $0x7FFFFFFF, v11;
	[tilespmem:v1+s10+$0x80C0] =	vst.idx.msk $0xffff, v21  }
0x57: {  	v22 =	vadd.s32 $0x1, v30;
	v17 =	vsel vm1, $0x0, v17;
	v30 =	vand.u32 $0x7FFFFFFF, v12;
	[tilespmem:v2+s10+$0x80C0] =	vst.idx.msk $0xffff, v19  }
0x58: {  	v24 =	vadd.s32 $0x2, v28;
	v20 =	vadd.s32 $0x1, v16;
	v23 =	vadd.s32 $0x3, v31;
	[tilespmem:v3+s10+$0x80C0] =	vst.idx.msk $0xffff, v17  }
0x59: {  	v21 =	vadd.s32 $0x2, v32;
	v19 =	vadd.s32 $0x3, v33;
	v17 =	vadd.s32 $0x1, v29;
	[tilespmem:v2+s31+$0x8080] =	vst.idx.msk $0xffff, v18  }
0x5a: {  	v27 =	vand.u32 $0x7FFFFFFF, v15;
	v16 =	vadd.s32 $0x3, v30;
	v18 =	vadd.s32 $0x2, v26;
	[tilespmem:v3+s31+$0x8080] =	vst.idx.msk $0xffff, v25;
	s31 =	smov.u32 s10  }
0x5b: {  	v28 =	vmax.u32 v27, v22;
	v26 =	vand.u32 $0x7FFFFFFF, v14;
	v25 =	vand.u32 $0x7FFFFFFF, v13  }
0x5c: {  	v31 =	vmin.u32 v24, v23;
	v30 =	vmax.u32 v24, v23;
	v29 =	vmin.u32 v27, v22  }
.Ltmp2:
0x5d: {  	v34 =	vmax.u32 v21, v19;
	v32 =	vmax.u32 v26, v20;
	v33 =	vmin.u32 v26, v20;
	(pc) =	sbr.rel @p1 .LBB2_3-.Ltmp2, $4  }
0x5e: {  	v35 =	vmin.u32 v21, v19;
	v36 =	vmax.u32 v25, v17;
	v37 =	vmin.u32 v25, v17  }
0x5f: {  	v28 =	vmin.u32 v28, v30;
	v38 =	vmax.u32 v18, v16;
	v39 =	vmin.u32 v18, v16  }
0x60: {  	v29 =	vmax.u32 v29, v31;
	v31 =	vmin.u32 v32, v34;
	v32 =	vmax.u32 v33, v35  }
0x61: {  	s3 =	sadd.s32 $0x400, s3;
	v30 =	vmax.u32 v28, v29;
	v28 =	vmin.u32 v36, v38;
	v29 =	vmax.u32 v37, v39  }
0x62: {  	_ =	sdelay $0x1  }
0x63: {  	vm0 =	vgt.u32 v30, v27  }
0x64: {  	vm1 =	vlt.u32 v22, v30;
	v15 =	vsel vm0, $0x0, v15  }
0x65: {  	vm14 =	vlt.u32 v24, v30;
	v4 =	vsel vm1, $0x0, v4;
	[tilespmem:v0+s31+$0x8000] =	vst.idx.msk $0xffff, v15  }
0x66: {  	vm15 =	vlt.u32 v23, v30;
	v5 =	vsel vm14, $0x0, v5;
	v15 =	vmax.u32 v31, v32;
	[tilespmem:v1+s31+$0x8000] =	vst.idx.msk $0xffff, v4  }
0x67: {  	vm4 =	vgt.u32 v15, v26;
	v4 =	vsel vm15, $0x0, v8;
	[tilespmem:v2+s31+$0x8000] =	vst.idx.msk $0xffff, v5  }
0x68: {  	vm5 =	vlt.u32 v20, v15;
	v5 =	vsel vm4, $0x0, v14;
	[tilespmem:v3+s31+$0x8000] =	vst.idx.msk $0xffff, v4  }
0x69: {  	vm6 =	vlt.u32 v21, v15;
	v4 =	vsel vm5, $0x0, v6;
	[tilespmem:v0+s31+$0x8040] =	vst.idx.msk $0xffff, v5  }
0x6a: {  	vm7 =	vlt.u32 v19, v15;
	v5 =	vmax.u32 v28, v29;
	v6 =	vsel vm6, $0x0, v7;
	[tilespmem:v1+s31+$0x8040] =	vst.idx.msk $0xffff, v4  }
0x6b: {  	vm8 =	vgt.u32 v5, v25;
	v4 =	vsel vm7, $0x0, v9;
	[tilespmem:v2+s31+$0x8040] =	vst.idx.msk $0xffff, v6  }
0x6c: {  	vm9 =	vlt.u32 v17, v5;
	v6 =	vsel vm8, $0x0, v13;
	[tilespmem:v3+s31+$0x8040] =	vst.idx.msk $0xffff, v4  }
0x6d: {  	vm10 =	vlt.u32 v18, v5;
	v4 =	vsel vm9, $0x0, v10;
	[tilespmem:v0+s31+$0x8080] =	vst.idx.msk $0xffff, v6  }
0x6e: {  	s30 =	sshrl.u32 s0, $0x3;
	p1 =	seq.s32 s29, $0xF;
	vm11 =	vlt.u32 v16, v5;
	v5 =	vsel vm10, $0x0, v11;
	[tilespmem:v1+s31+$0x8080] =	vst.idx.msk $0xffff, v4  }
0x6f: {  	s3 =	sadd.s32 s4, s30;
	s0 =	sshrl.u32 @!p1 s0, $0x3;
	v4 =	vsel vm11, $0x0, v12;
	[tilespmem:v2+s31+$0x8080] =	vst.idx.msk $0xffff, v5  }
0x70: {  	s10 =	simm.s32 @!p1 $0x1;
	s11 =	simm.s32 @!p1 $0x10;
	s0 =	sadd.s32 @!p1 s1, s0;
	[tilespmem:v3+s31+$0x8080] =	vst.idx.msk $0xffff, v4  }
0x71: {  	[hbm4b:s3+s2] =	stream.linear.scatter [tilespmem:s21], [sflag:$0x3], $0x4000, $0x38;
	[tilespmem:$0x18000] =	vst v63  }
0x72: {  	s0 =	sadd.s32 @!p1 $0x1000, s0;
	s31 =	simm.s32 @!p1 $0x20;
	s3 =	sshrl.u32 @!p1 s6, $0x3  }
0x73: {  	[spmem:s3@s31], [sflag:s8] =	dma.strided @!p1 [hbm:s0@s11], $0x800, s10, $0x10   }
0x74: {  	_ =	swait.ge [sflag:s22], $0x800  }
0x75: {  	[sflag:s22] =	ssyncset.done $0x0  }
0x76: {  	[sflag:s22] =	ssyncadd.s32 $0xFFFFF800  }
0x77: {  	[tilespmem:s23], [sflag:$0x5] =	stream.strided.gather [spmem:s9], $0x4000, s19, s18, $0x38;
	[tilespmem:$0x18000] =	vst v63  }
0x78: {  	_ =	swait.ge [sflag:s20], $0x4000  }
0x79: {  	[sflag:s20] =	ssyncset.done $0x0  }
0x7a: {  	s0 =	simm.s32 @!p0 $0x4;
	[sflag:s20] =	ssyncadd.s32 $0xFFFFC000  }
0x7b: {  	_ =	swait.ge @!p0 [sflag:s0], $0x4000  }
0x7c: {  	[sflag:s0] =	ssyncset.done @!p0 $0x0  }
0x7d: {  	s31 =	simm.s32 $0x0;
	[sflag:s0] =	ssyncadd.s32 @!p0 $0xFFFFC000  }
0x7e: {  	v13 =	vld.idx.msk [tilespmem:v0+s31+$0x40C0], $0xffff  }
0x7f: {  	v16 =	vld.idx.msk [tilespmem:v1+s31+$0x40C0], $0xffff  }
0x80: {  	v17 =	vld.idx.msk [tilespmem:v2+s31+$0x40C0], $0xffff  }
0x81: {  	v18 =	vld.idx.msk [tilespmem:v3+s31+$0x40C0], $0xffff  }
0x82: {  	v4 =	vld.idx.msk [tilespmem:v1+s31+$0x4000], $0xffff  }
0x83: {  	v5 =	vld.idx.msk [tilespmem:v2+s31+$0x4000], $0xffff  }
0x84: {  	v8 =	vld.idx.msk [tilespmem:v3+s31+$0x4000], $0xffff  }
0x85: {  	v6 =	vld.idx.msk [tilespmem:v1+s31+$0x4040], $0xffff;
	v14 =	vand.u32 $0x7FFFFFFF, v13;
	v9 =	vand.u32 $0x7FFFFFFF, v16  }
0x86: {  	v7 =	vld.idx.msk [tilespmem:v2+s31+$0x4040], $0xffff;
	v10 =	vand.u32 $0x7FFFFFFF, v17;
	v11 =	vand.u32 $0x7FFFFFFF, v18;
	v19 =	vadd.s32 $0x1, v9  }
0x87: {  	v20 =	vadd.s32 $0x2, v10;
	v21 =	vadd.s32 $0x3, v11;
	v12 =	vmax.u32 v14, v19  }
0x88: {  	v15 =	vmin.u32 v14, v19;
	v22 =	vmax.u32 v20, v21;
	v23 =	vmin.u32 v20, v21  }
0x89: {  	v24 =	vand.u32 $0x7FFFFFFF, v4;
	v9 =	vld.idx.msk [tilespmem:v3+s31+$0x4040], $0xffff;
	v22 =	vmin.u32 v12, v22;
	v15 =	vmax.u32 v15, v23  }
0x8a: {  	v25 =	vand.u32 $0x7FFFFFFF, v8;
	v26 =	vand.u32 $0x7FFFFFFF, v6;
	v10 =	vld.idx.msk [tilespmem:v1+s31+$0x4080], $0xffff;
	v22 =	vmax.u32 v22, v15  }
0x8b: {  	v27 =	vand.u32 $0x7FFFFFFF, v7;
	v11 =	vld.idx.msk [tilespmem:v2+s31+$0x4080], $0xffff;
	v23 =	vand.u32 $0x7FFFFFFF, v5;
	vm12 =	vgt.u32 v22, v14  }
0x8c: {  	vm13 =	vlt.u32 v19, v22;
	vm14 =	vlt.u32 v20, v22;
	vm15 =	vlt.u32 v21, v22  }
0x8d: {  	v12 =	vld.idx.msk [tilespmem:v3+s31+$0x4080], $0xffff;
	v22 =	vadd.s32 $0x1, v24;
	v24 =	vadd.s32 $0x2, v23;
	v23 =	vadd.s32 $0x3, v25  }
0x8e: {  	v15 =	vld.idx.msk [tilespmem:v0+s31+$0x4000], $0xffff;
	v20 =	vadd.s32 $0x1, v26;
	v21 =	vadd.s32 $0x2, v27;
	v28 =	vand.u32 $0x7FFFFFFF, v9  }
0x8f: {  	v14 =	vld.idx.msk [tilespmem:v0+s31+$0x4040], $0xffff;
	v19 =	vsel vm12, $0x0, v13;
	v29 =	vand.u32 $0x7FFFFFFF, v10;
	v16 =	vsel vm13, $0x0, v16  }
0x90: {  	v30 =	vand.u32 $0x7FFFFFFF, v11;
	v31 =	vsel vm14, $0x0, v17;
	v33 =	vsel vm15, $0x0, v18  }
0x91: {  	v13 =	vld.idx.msk [tilespmem:v0+s31+$0x4080], $0xffff;
	[tilespmem:v0+s31+$0xC0C0] =	vst.idx.msk $0xffff, v19;
	v19 =	vadd.s32 $0x3, v28;
	v17 =	vadd.s32 $0x1, v29;
	v18 =	vadd.s32 $0x2, v30  }
0x92: {  	v30 =	vmax.u32 v24, v23;
	v61 =	vand.u32 $0x7FFFFFFF, v12;
	v34 =	vmax.u32 v21, v19  }
0x93: {  	[tilespmem:v1+s31+$0xC0C0] =	vst.idx.msk $0xffff, v16;
	v35 =	vmin.u32 v21, v19;
	v27 =	vand.u32 $0x7FFFFFFF, v15;
	v16 =	vadd.s32 $0x3, v61  }
0x94: {  	[tilespmem:v2+s31+$0xC0C0] =	vst.idx.msk $0xffff, v31;
	v31 =	vmin.u32 v24, v23;
	v28 =	vmax.u32 v27, v22;
	v26 =	vand.u32 $0x7FFFFFFF, v14  }
0x95: {  	v29 =	vmin.u32 v27, v22;
	v38 =	vmax.u32 v18, v16;
	v39 =	vmin.u32 v18, v16  }
0x96: {  	[tilespmem:v3+s31+$0xC0C0] =	vst.idx.msk $0xffff, v33;
	v25 =	vand.u32 $0x7FFFFFFF, v13;
	v62 =	vmax.u32 v26, v20;
	v63 =	vmin.u32 v26, v20  }
0x97: {  	v28 =	vmin.u32 v28, v30;
	v29 =	vmax.u32 v29, v31;
	v36 =	vmax.u32 v25, v17  }
0x98: {  	v37 =	vmin.u32 v25, v17;
	v31 =	vmin.u32 v62, v34;
	v32 =	vmax.u32 v63, v35  }
0x99: {  	s3 =	simm.s32 $0x400;
	s0 =	simm.s32 $0x0;
	v30 =	vmax.u32 v28, v29;
	v28 =	vmin.u32 v36, v38;
	v29 =	vmax.u32 v37, v39  }
.LBB2_5:
0x9a: {  	s10 =	sshra.s32 s3, $0x2;
	vm0 =	vgt.u32 v30, v27;
	v27 =	vmax.u32 v31, v32;
	v28 =	vmax.u32 v28, v29  }
0x9b: {  	vm1 =	vlt.u32 v22, v30;
	vm2 =	vlt.u32 v24, v30;
	vm3 =	vlt.u32 v23, v30;
	v29 =	vld.idx.msk [tilespmem:v0+s10+$0x40C0], $0xffff  }
0x9c: {  	vm4 =	vgt.u32 v27, v26;
	vm5 =	vlt.u32 v20, v27;
	vm6 =	vlt.u32 v21, v27;
	v22 =	vld.idx.msk [tilespmem:v1+s10+$0x40C0], $0xffff  }
0x9d: {  	vm7 =	vlt.u32 v19, v27;
	vm8 =	vgt.u32 v28, v25;
	vm9 =	vlt.u32 v17, v28;
	v20 =	vld.idx.msk [tilespmem:v2+s10+$0x40C0], $0xffff  }
0x9e: {  	v15 =	vsel vm0, $0x0, v15;
	vm0 =	vlt.u32 v18, v28;
	vm10 =	vlt.u32 v16, v28;
	v17 =	vld.idx.msk [tilespmem:v3+s10+$0x40C0], $0xffff  }
0x9f: {  	v16 =	vsel vm2, $0x0, v5;
	v18 =	vsel vm3, $0x0, v8;
	[tilespmem:v0+s31+$0xC000] =	vst.idx.msk $0xffff, v15;
	v15 =	vsel vm1, $0x0, v4;
	v4 =	vld.idx.msk [tilespmem:v1+s10+$0x4000], $0xffff  }
0xa0: {  	s0 =	sadd.s32 $0x4, s0;
	v14 =	vsel vm4, $0x0, v14;
	v19 =	vsel vm6, $0x0, v7;
	v5 =	vld.idx.msk [tilespmem:v2+s10+$0x4000], $0xffff;
	[tilespmem:v1+s31+$0xC000] =	vst.idx.msk $0xffff, v15;
	v15 =	vsel vm5, $0x0, v6  }
0xa1: {  	p0 =	slt.u32 s0, $0xFC;
	v13 =	vsel vm8, $0x0, v13;
	v21 =	vsel vm9, $0x0, v10;
	v8 =	vld.idx.msk [tilespmem:v3+s10+$0x4000], $0xffff;
	[tilespmem:v2+s31+$0xC000] =	vst.idx.msk $0xffff, v16;
	v16 =	vsel vm7, $0x0, v9  }
0xa2: {  	v25 =	vsel vm10, $0x0, v12;
	v6 =	vld.idx.msk [tilespmem:v1+s10+$0x4040], $0xffff;
	[tilespmem:v3+s31+$0xC000] =	vst.idx.msk $0xffff, v18;
	v18 =	vsel vm0, $0x0, v11  }
0xa3: {  	v23 =	vand.u32 $0x7FFFFFFF, v29;
	v10 =	vand.u32 $0x7FFFFFFF, v22;
	v7 =	vld.idx.msk [tilespmem:v2+s10+$0x4040], $0xffff;
	[tilespmem:v0+s31+$0xC040] =	vst.idx.msk $0xffff, v14  }
0xa4: {  	v24 =	vadd.s32 $0x1, v10;
	v11 =	vand.u32 $0x7FFFFFFF, v20;
	v12 =	vand.u32 $0x7FFFFFFF, v17;
	v9 =	vld.idx.msk [tilespmem:v3+s10+$0x4040], $0xffff;
	[tilespmem:v1+s31+$0xC040] =	vst.idx.msk $0xffff, v15  }
0xa5: {  	v26 =	vadd.s32 $0x2, v11;
	v14 =	vmax.u32 v23, v24;
	v27 =	vadd.s32 $0x3, v12;
	v10 =	vld.idx.msk [tilespmem:v1+s10+$0x4080], $0xffff;
	[tilespmem:v2+s31+$0xC040] =	vst.idx.msk $0xffff, v19  }
0xa6: {  	v15 =	vmin.u32 v23, v24;
	v19 =	vmax.u32 v26, v27;
	v28 =	vmin.u32 v26, v27;
	v11 =	vld.idx.msk [tilespmem:v2+s10+$0x4080], $0xffff  }
0xa7: {  	v30 =	vand.u32 $0x7FFFFFFF, v4;
	v14 =	vmin.u32 v14, v19;
	v19 =	vmax.u32 v15, v28;
	v12 =	vld.idx.msk [tilespmem:v3+s10+$0x4080], $0xffff  }
0xa8: {  	v28 =	vand.u32 $0x7FFFFFFF, v5;
	v31 =	vand.u32 $0x7FFFFFFF, v8;
	v19 =	vmax.u32 v14, v19;
	v15 =	vld.idx.msk [tilespmem:v0+s10+$0x4000], $0xffff;
	[tilespmem:v3+s31+$0xC040] =	vst.idx.msk $0xffff, v16  }
0xa9: {  	v16 =	vand.u32 $0x7FFFFFFF, v6;
	v32 =	vand.u32 $0x7FFFFFFF, v7;
	vm0 =	vgt.u32 v19, v23;
	v14 =	vld.idx.msk [tilespmem:v0+s10+$0x4040], $0xffff;
	[tilespmem:v0+s31+$0xC080] =	vst.idx.msk $0xffff, v13  }
0xaa: {  	vm1 =	vlt.u32 v24, v19;
	v33 =	vand.u32 $0x7FFFFFFF, v9;
	v23 =	vsel vm0, $0x0, v29;
	v13 =	vld.idx.msk [tilespmem:v0+s10+$0x4080], $0xffff;
	[tilespmem:v1+s31+$0xC080] =	vst.idx.msk $0xffff, v21  }
0xab: {  	vm0 =	vlt.u32 v26, v19;
	v29 =	vand.u32 $0x7FFFFFFF, v10;
	v21 =	vsel vm1, $0x0, v22;
	[tilespmem:v0+s10+$0xC0C0] =	vst.idx.msk $0xffff, v23  }
0xac: {  	vm1 =	vlt.u32 v27, v19;
	v19 =	vsel vm0, $0x0, v20;
	v26 =	vand.u32 $0x7FFFFFFF, v11;
	[tilespmem:v1+s10+$0xC0C0] =	vst.idx.msk $0xffff, v21  }
0xad: {  	v22 =	vadd.s32 $0x1, v30;
	v17 =	vsel vm1, $0x0, v17;
	v30 =	vand.u32 $0x7FFFFFFF, v12;
	[tilespmem:v2+s10+$0xC0C0] =	vst.idx.msk $0xffff, v19  }
0xae: {  	v24 =	vadd.s32 $0x2, v28;
	v20 =	vadd.s32 $0x1, v16;
	v23 =	vadd.s32 $0x3, v31;
	[tilespmem:v3+s10+$0xC0C0] =	vst.idx.msk $0xffff, v17  }
0xaf: {  	v21 =	vadd.s32 $0x2, v32;
	v19 =	vadd.s32 $0x3, v33;
	v17 =	vadd.s32 $0x1, v29;
	[tilespmem:v2+s31+$0xC080] =	vst.idx.msk $0xffff, v18  }
0xb0: {  	v27 =	vand.u32 $0x7FFFFFFF, v15;
	v16 =	vadd.s32 $0x3, v30;
	v18 =	vadd.s32 $0x2, v26;
	[tilespmem:v3+s31+$0xC080] =	vst.idx.msk $0xffff, v25;
	s31 =	smov.u32 s10  }
0xb1: {  	v28 =	vmax.u32 v27, v22;
	v26 =	vand.u32 $0x7FFFFFFF, v14;
	v25 =	vand.u32 $0x7FFFFFFF, v13  }
0xb2: {  	v31 =	vmin.u32 v24, v23;
	v30 =	vmax.u32 v24, v23;
	v29 =	vmin.u32 v27, v22  }
.Ltmp3:
0xb3: {  	v34 =	vmax.u32 v21, v19;
	v32 =	vmax.u32 v26, v20;
	v33 =	vmin.u32 v26, v20;
	(pc) =	sbr.rel @p0 .LBB2_5-.Ltmp3, $4  }
0xb4: {  	v35 =	vmin.u32 v21, v19;
	v36 =	vmax.u32 v25, v17;
	v37 =	vmin.u32 v25, v17  }
0xb5: {  	v28 =	vmin.u32 v28, v30;
	v38 =	vmax.u32 v18, v16;
	v39 =	vmin.u32 v18, v16  }
0xb6: {  	v29 =	vmax.u32 v29, v31;
	v31 =	vmin.u32 v32, v34;
	v32 =	vmax.u32 v33, v35  }
0xb7: {  	s3 =	sadd.s32 $0x400, s3;
	v30 =	vmax.u32 v28, v29;
	v28 =	vmin.u32 v36, v38;
	v29 =	vmax.u32 v37, v39  }
0xb8: {  	_ =	sdelay $0x1  }
0xb9: {  	vm0 =	vgt.u32 v30, v27  }
0xba: {  	vm1 =	vlt.u32 v22, v30;
	v15 =	vsel vm0, $0x0, v15  }
0xbb: {  	vm6 =	vlt.u32 v24, v30;
	v4 =	vsel vm1, $0x0, v4;
	[tilespmem:v0+s31+$0xC000] =	vst.idx.msk $0xffff, v15  }
0xbc: {  	v61 =	vmax.u32 v31, v32;
	vm7 =	vlt.u32 v23, v30;
	v5 =	vsel vm6, $0x0, v5;
	[tilespmem:v1+s31+$0xC000] =	vst.idx.msk $0xffff, v4  }
0xbd: {  	vm8 =	vgt.u32 v61, v26;
	v4 =	vsel vm7, $0x0, v8;
	[tilespmem:v2+s31+$0xC000] =	vst.idx.msk $0xffff, v5  }
0xbe: {  	vm9 =	vlt.u32 v20, v61;
	v5 =	vsel vm8, $0x0, v14;
	[tilespmem:v3+s31+$0xC000] =	vst.idx.msk $0xffff, v4  }
0xbf: {  	vm10 =	vlt.u32 v21, v61;
	v4 =	vsel vm9, $0x0, v6;
	[tilespmem:v0+s31+$0xC040] =	vst.idx.msk $0xffff, v5  }
0xc0: {  	vm11 =	vlt.u32 v19, v61;
	v62 =	vsel vm10, $0x0, v7;
	v5 =	vmax.u32 v28, v29;
	[tilespmem:v1+s31+$0xC040] =	vst.idx.msk $0xffff, v4  }
0xc1: {  	vm12 =	vgt.u32 v5, v25;
	v4 =	vsel vm11, $0x0, v9;
	[tilespmem:v2+s31+$0xC040] =	vst.idx.msk $0xffff, v62  }
0xc2: {  	vm13 =	vlt.u32 v17, v5;
	v63 =	vsel vm12, $0x0, v13;
	[tilespmem:v3+s31+$0xC040] =	vst.idx.msk $0xffff, v4  }
.Ltmp4:
0xc3: {  	vm14 =	vlt.u32 v18, v5;
	v4 =	vsel vm13, $0x0, v10;
	[tilespmem:v0+s31+$0xC080] =	vst.idx.msk $0xffff, v63;
	(pc) =	sbr.rel @p1 .LBB2_8-.Ltmp4, $4  }
0xc4: {  	vm15 =	vlt.u32 v16, v5;
	v5 =	vsel vm14, $0x0, v11;
	[tilespmem:v1+s31+$0xC080] =	vst.idx.msk $0xffff, v4  }
0xc5: {  	s0 =	sadd.s32 s30, s4;
	v4 =	vsel vm15, $0x0, v12;
	[tilespmem:v2+s31+$0xC080] =	vst.idx.msk $0xffff, v5  }
0xc6: {  	s0 =	sadd.s32 $0x800, s0;
	[tilespmem:v3+s31+$0xC080] =	vst.idx.msk $0xffff, v4  }
0xc7: {  	[hbm4b:s0+s2] =	stream.linear.scatter [tilespmem:s24], [sflag:$0x4], $0x4000, $0x38;
	[tilespmem:$0x18000] =	vst v63  }
.Ltmp5:
0xc8: {  	(pc) =	sbr.rel .LBB2_2-.Ltmp5, $4  }
0xc9: {  	_ = 	snop  }
0xca: {  	s0 =	sadd.s32 s1, s30  }
0xcb: {  	s29 =	sadd.s32 $0x1, s29;
	s0 =	sadd.s32 $0x1800, s0  }
0xcc: {  	[spmem:s17@s14], [sflag:s16] =	dma.strided [hbm:s0@s15], $0x800, s13, $0x10   }
.LBB2_9:
0xcd: {  	_ =	sfence.sel $0x180000  }
0xce: {  	[bflag:$0x0] =	sbarrier.arrive $0xFFFF  }
0xcf: {  	_ =	strace $0x9000004A  }
0xd0: {  	s0 =	stileid.u32;
	[bflag:$0x2] =	sbarrier.arrive $0xFFFF  }
0xd1: {  	p0 =	sne.s32 s0, $0x0;
	s0 =	rddreg [dreg:$0x3]  }
0xd2: {  	s0 =	sadd.s32 @!p0 $0x100000, s0  }
0xd3: {  	[sflag:s0] =	ssyncadd.tile.s32 @!p0 $0x1;
	_ =	shalt  }
.Lfunc_end2:
_tile_overlayer_lowered:
.L_overlay_start_2:
0xd4: {  	(tag) =	ssettag $0x2  }
0xd5: {  	s0 =	rddreg [dreg:$0x0];
	s2 =	stileid.u32  }
0xd6: {  	s1 =	rddreg [dreg:$0x1];
	p0 =	sne.s32 s2, $0x0  }
0xd7: {  	s3 =	rddreg [dreg:$0x2];
	[bflag:$0x3] =	sbarrier.arrive $0xFFFF;
	s2 =	simm.s32 @!p0 $0x1C05  }
0xd8: {  	[timem:s3], [sflag:s2] =	dma.local @!p0 [hbm:s0], s1  }
0xd9: {  	s0 =	simm.s32 @!p0 $0x5  }
0xda: {  	_ =	swait.ge @!p0 [sflag:s0], s1  }
0xdb: {  	s1 =	ssub.s32 @!p0 $0x0, s1;
	[sflag:s0] =	ssyncset.done @!p0 $0x0  }
0xdc: {  	[sflag:s0] =	ssyncadd.s32 @!p0 s1  }
0xdd: {  	[bflag:$0x3] =	sbarrier.arrive $0xFFFF  }
0xde: {  	_ =	shalt  }

// kernel: sparse-core-data-format-call.cloned.1.call-start
scs
called_computation_lowered:
.L_overlay_start_0:
0x0: {  	s2 =	sld [smem:$0x3FD9]  }
0x1: {  	s3 =	sld [smem:$0x3FFE];
	_ =	sdelay $0x1  }
0x2: {  	s1 =	srdreg.scid  }
0x3: {  	s0 =	sand.u32 $0x1, s1  }
0x4: {  	s19 =	sshll.u32 s0, $0xA;
	s2 =	sadd.s32 s3, s2  }
0x5: {  	s2 =	sadd.s32 s2, s19  }
0x6: {  	[smem:$0x3FC7] =	sst s2  }
0x7: {  	_ = 	snop  }
0x8: {  	s2 =	sld [smem:$0x3FC9]  }
0x9: {  	s20 =	sld [smem:$0x3FD0];
	(tm) =	ssettm $0x1  }
0xa: {  	s4 =	sld [smem:$0x3FFB];
	_ =	sdelay $0x3  }
0xb: {  	_ =	strace s4  }
0xc: {  	s4 =	sld [smem:$0x3FFC];
	_ =	sdelay $0x3  }
0xd: {  	_ =	strace s4  }
0xe: {  	s4 =	sld [smem:$0x3FFD];
	_ =	sdelay $0x3  }
0xf: {  	_ =	strace s4  }
0x10: {  	_ =	strace $0x8FFFFFFF  }
0x11: {  	s21 =	sld [smem:$0x3FDB];
	_ =	sdelay $0x1  }
0x12: {  	s5 =	simm.s32 $_scs_section_size  }
0x13: {  	s6 =	simm.s32 $_size__tile_overlayer_lowered;
	s7 =	simm.s32 $_tile_overlayer_lowered  }
0x14: {  	s24 =	simm.s32 $0x1BFF;
	s23 =	sshll.u32 s7, $0x1;
	s4 =	sadd.s32 s5, s21  }
0x15: {  	s8 =	simm.s32 $0x0;
	s22 =	sshll.u32 s6, $0x1;
	s6 =	sadd.s32 s23, s4  }
0x16: {  	[timem:s8], [sflag:s24] =	dma.local [hbm:s6], s22  }
0x17: {  	_ =	swait.ge [sflag:s24], s22  }
0x18: {  	s5 =	ssub.s32 $0x0, s22;
	[sflag:s24] =	ssyncset.done $0x0  }
0x19: {  	[sflag:s24] =	ssyncadd.s32 s5;
	_ =	sdelay $0x1  }
0x1a: {  	s25 =	simm.s32 $0x1B8B  }
0x1b: {  	_ =	swait.ge [sflag:s25], $0x1  }
0x1c: {  	[sflag:s25] =	ssyncset.done $0x0  }
0x1d: {  	s26 =	simm.s32 $0x1B8E;
	[sflag:s25] =	ssyncadd.s32 $0xFFFFFFFF  }
0x1e: {  	s27 =	simm.s32 $execute0_lowered;
	[smem:$0x3FD2] =	sst s26  }
0x1f: {  	s5 =	sshll.u32 s27, $0x1;
	_ =	strace $0x80000046;
	[dreg:$0x1] =	wrdreg $0xFFFFFFFF  }
0x20: {  	s28 =	simm.s32 $_size_execute0_lowered;
	s4 =	sadd.s32 s4, s5;
	[dreg:$0x0] =	wrdreg $0x0  }
0x21: {  	s5 =	sshll.u32 s28, $0x1;
	[dreg:$0x2] =	wrdreg s4  }
0x22: {  	[dreg:$0x3] =	wrdreg s5  }
0x23: {  	[dreg:$0x4] =	wrdreg $0xC0  }
0x24: {  	_ =	task [dreg:s8], $0x5FFFF  }
0x25: {  	[dreg:$0x1] =	wrdreg $0xFFFFFFFF  }
0x26: {  	[dreg:$0x0] =	wrdreg $0x60  }
0x27: {  	[dreg:$0x2] =	wrdreg s2  }
0x28: {  	[dreg:$0x3] =	wrdreg s20  }
0x29: {  	[dreg:$0x4] =	wrdreg $0x9  }
0x2a: {  	_ =	task.clear_ibuf [dreg:s8], $0x5FFFF;
	_ =	strace $0x90000046  }
0x2b: {  	s29 =	simm.s32 $0x9;
	_ =	strace $0x80000048  }
0x2c: {  	_ =	swait.ge [sflag:s29], $0x1  }
0x2d: {  	[sflag:s29] =	ssyncadd.s32 $0xFFFFFFFF  }
0x2e: {  	_ =	strace $0x90000048  }
0x2f: {  	_ =	sfence  }
0x30: {  	s30 =	sld [smem:$0x0];
	_ =	sdelay $0x2  }
0x31: {  	s31 =	sshll.u32 s1, $0xD;
	s1 =	sshrl.u32 s1, $0x2  }
0x32: {  	s3 =	sand.u32 $0x4000, s31;
	s1 =	sadd.s32 s1, s30  }
0x33: {  	s0 =	sor.u32 s3, s0;
	s1 =	sshll.u32 s1, $0x11  }
0x34: {  	s0 =	sor.u32 s1, s0  }
0x35: {  	s0 =	sadd.s32 $0x8F2B, s0  }
0x36: {  	[sflag:s0] =	ssyncadd.remote.s32 $0x1  }
0x37: {  	_ =	sfence.sel $0xFFFF  }
0x38: {  	[dreg:$0x0] =	wrdreg $0xFFFFFFFF;
	(pc) =	sbr.abs _section_cstart, $3  }
0x39: {  	[dreg:$0x1] =	wrdreg $0xFFFFFFFF  }
0x3a: {  	_ =	task.clear_ibuf [dreg:s8], $0x2FFFF;
	_ =	strace $0x9FFFFFFF  }
0x3b: {  	(tm) =	ssettm $0x7FFFFFFF  }
tec
execute0_lowered:
.L_overlay_start_1:
0x0: {  	(tag) =	ssettag $0x1  }
0x1: {  	s2 =	rddreg [dreg:$0x0]  }
0x2: {  	s3 =	rddreg [dreg:$0x1]  }
0x3: {  	s0 =	rddreg [dreg:$0x2];
	_ =	strace $0x80000047  }
0x4: {  	s4 =	srdreg.scid;
	s1 =	stileid.u32;
	s6 =	simm.s32 $0x2  }
.Ltmp0:
0x5: {  	s11 =	simm.s32 $0x0;
	p0 =	por $0x0, $0x0;
	(pc) =	sbr.rel .LBB1_1-.Ltmp0, $4  }
0x6: {  	s7 =	simm.s32 $0x2000;
	s12 =	simm.s32 $0x0;
	s5 =	sshll.u32 s4, $0x4  }
0x7: {  	s9 =	simm.s32 $0x0;
	s4 =	simm.s32 $0x1;
	s5 =	sand.u32 $0x10, s5  }
0x8: {  	s8 =	simm.s32 $0x0;
	[sflag:s4] =	ssyncpa.u1 $0x0;
	s5 =	sor.u32 s1, s5  }
0x9: {  	[sflag:s6] =	ssyncpa.u1 $0x0;
	s6 =	simm.s32 $0x800;
	s10 =	smov.u32 s5  }
.LBB1_7:
0xa: {  	s13 =	sadd.s32 $0x10, s9  }
0xb: {  	s11 =	sadd.s32 $0x20, s10;
	s15 =	smov.u32 s10;
	p2 =	sgt.s32 s13, $0x3F  }
0xc: {  	p1 =	slt.u32 s8, $0x2;
	s15 =	smov.u32 @p2 s11  }
0xd: {  	s8 =	sadd.s32 $0x1, s8;
	s13 =	simm.s32 @p2 $0x0;
	p2 =	sgt.s32 s15, $0xFF  }
0xe: {  	s15 =	smov.u32 @p2 s5;
	p2 =	sne.s32 s8, $0x22  }
.Ltmp1:
0xf: {  	_ = 	snop;
	(pc) =	sbr.rel @!p2 .LBB1_8-.Ltmp1, $4  }
0x10: {  	s14 =	simm.s32 @!p1 $0x2  }
0x11: {  	s12 =	smov.u32 s10;
	_ =	swait.ge @!p1 [sflag:s14], $0x4000  }
0x12: {  	p0 =	por !p0, !p0;
	s11 =	smov.u32 s9;
	[sflag:s14] =	ssyncset.done @!p1 $0x0  }
0x13: {  	s9 =	smov.u32 s13;
	[sflag:s14] =	ssyncadd.s32 @!p1 $0xFFFFC000;
	s10 =	smov.u32 s15  }
.LBB1_1:
0x14: {  	p1 =	sgt.u32 s8, $0x1F  }
0x15: {  	s13 =	sxor.u32 @!p1 $0xFFFFFFFF, s8;
	s14 =	sshll.u32 @!p1 s10, $0xD  }
0x16: {  	s15 =	sshll.u32 @!p1 s9, $0x7;
	s13 =	sshll.u32 @!p1 s13, $0xE;
	s14 =	sadd.s32 @!p1 s2, s14  }
0x17: {  	s13 =	sand.u32 @!p1 $0x4000, s13;
	s14 =	sadd.s32 @!p1 s15, s14;
	s15 =	simm.s32 @!p1 $0x0  }
0x18: {  	[tilespmem:s13], [sflag:$0x1] =	stream.linear.gather @!p1 [hbm4b:s14+s15], $0x4000, $0x38;
	[tilespmem:$0x10000] =	vst v63  }
0x19: {  	p1 =	seq.s32 s8, $0x0  }
0x1a: {  	p2 =	seq.s32 @!p1 s8, $0x21  }
0x1b: {  	p1 =	por p1, p2  }
.Ltmp2:
0x1c: {  	_ = 	snop;
	(pc) =	sbr.rel @p1 .LBB1_7-.Ltmp2, $1  }
0x1d: {  	_ =	sdelay $0x3  }
0x1e: {  	s13 =	simm.s32 $0x1;
	_ =	swait.ge [sflag:s4], $0x4000;
	s16 =	sshll.u32 s8, $0xE  }
0x1f: {  	s13 =	simm.s32 @!p0 $0x0;
	[sflag:s4] =	ssyncset.done $0x0;
	s31 =	sand.u32 $0x4000, s16  }
0x20: {  	s16 =	simm.s32 $0x0;
	s14 =	sshll.u32 s13, $0xE;
	[sflag:s4] =	ssyncadd.s32 $0xFFFFC000  }
0x21: {  	s13 =	sor.u32 $0x8040, s14;
	s15 =	sor.u32 $0x40, s14;
	s14 =	sor.u32 $0x8000, s31  }
.LBB1_3:
0x22: {  	v0 =	vmov s15;
	_ =	sdelay $0x3  }
0x23: {  	s18 =	simm.s32 $0x0  }
0x24: {  	v6 =	vld.idx.msk [tilespmem:v0+s18+$0x30 ss:$0x1], $0xffff  }
0x25: {  	v7 =	vld.idx.msk [tilespmem:v0+s18+$0xFFFFFFC0 ss:$0x1], $0xffff  }
0x26: {  	v5 =	vld.idx.msk [tilespmem:v0+s18+$0xFFFFFFD0 ss:$0x1], $0xffff  }
0x27: {  	v4 =	vld.idx.msk [tilespmem:v0+s18+$0xFFFFFFE0 ss:$0x1], $0xffff  }
0x28: {  	v3 =	vld.idx.msk [tilespmem:v0+s18+$0xFFFFFFF0 ss:$0x1], $0xffff  }
0x29: {  	v1 =	vld.idx.msk [tilespmem:v0+s18+$0x0 ss:$0x1], $0xffff  }
0x2a: {  	v2 =	vld.idx.msk [tilespmem:v0+s18+$0x10 ss:$0x1], $0xffff;
	[tilespmem:s13+$0x30] =	vst v6  }
0x2b: {  	s17 =	simm.s32 $0x80;
	s19 =	simm.s32 $0x400;
	[tilespmem:s13+$0xFFFFFFC0] =	vst v7;
	v6 =	vld.idx.msk [tilespmem:v0+s18+$0x20 ss:$0x1], $0xffff;
	s18 =	smov.u32 s13  }
.LBB1_4:
0x2c: {  	p1 =	sne.s32 s19, $0xE00;
	v7 =	vld.idx.msk [tilespmem:v0+s17+$0x30 ss:$0x1], $0xffff;
	[tilespmem:s18+$0xFFFFFFD0] =	vst v5  }
0x2d: {  	v8 =	vld.idx.msk [tilespmem:v0+s17+$0xFFFFFFC0 ss:$0x1], $0xffff;
	[tilespmem:s18+$0xFFFFFFE0] =	vst v4  }
0x2e: {  	v5 =	vld.idx.msk [tilespmem:v0+s17+$0xFFFFFFD0 ss:$0x1], $0xffff;
	[tilespmem:s18+$0xFFFFFFF0] =	vst v3  }
.Ltmp3:
0x2f: {  	v4 =	vld.idx.msk [tilespmem:v0+s17+$0xFFFFFFE0 ss:$0x1], $0xffff;
	[tilespmem:s18+$0x0] =	vst v1;
	(pc) =	sbr.rel @p1 .LBB1_4-.Ltmp3, $4  }
0x30: {  	v3 =	vld.idx.msk [tilespmem:v0+s17+$0xFFFFFFF0 ss:$0x1], $0xffff;
	[tilespmem:s18+$0x10] =	vst v2  }
0x31: {  	v1 =	vld.idx.msk [tilespmem:v0+s17+$0x0 ss:$0x1], $0xffff;
	[tilespmem:s18+$0x20] =	vst v6;
	s18 =	sadd.s32 $0x800, s18  }
0x32: {  	v2 =	vld.idx.msk [tilespmem:v0+s17+$0x10 ss:$0x1], $0xffff;
	[tilespmem:s18+$0x30] =	vst v7  }
0x33: {  	[tilespmem:s18+$0xFFFFFFC0] =	vst v8;
	v6 =	vld.idx.msk [tilespmem:v0+s17+$0x20 ss:$0x1], $0xffff;
	s17 =	sshra.s32 s19, $0x2;
	s19 =	sadd.s32 $0x200, s19  }
0x34: {  	_ =	sdelay $0x2  }
0x35: {  	[tilespmem:s18+$0xFFFFFFD0] =	vst v5  }
0x36: {  	v56 =	vld.idx.msk [tilespmem:v0+s17+$0x30 ss:$0x1], $0xffff;
	[tilespmem:s18+$0xFFFFFFE0] =	vst v4  }
0x37: {  	v57 =	vld.idx.msk [tilespmem:v0+s17+$0xFFFFFFC0 ss:$0x1], $0xffff;
	[tilespmem:s18+$0xFFFFFFF0] =	vst v3  }
0x38: {  	v58 =	vld.idx.msk [tilespmem:v0+s17+$0xFFFFFFD0 ss:$0x1], $0xffff;
	[tilespmem:s18+$0x0] =	vst v1  }
0x39: {  	v59 =	vld.idx.msk [tilespmem:v0+s17+$0xFFFFFFE0 ss:$0x1], $0xffff;
	[tilespmem:s18+$0x10] =	vst v2  }
0x3a: {  	v60 =	vld.idx.msk [tilespmem:v0+s17+$0xFFFFFFF0 ss:$0x1], $0xffff;
	s31 =	sadd.s32 $0x800, s18;
	[tilespmem:s18+$0x20] =	vst v6  }
0x3b: {  	v61 =	vld.idx.msk [tilespmem:v0+s17+$0x0 ss:$0x1], $0xffff;
	[tilespmem:s31+$0x30] =	vst v56  }
0x3c: {  	v62 =	vld.idx.msk [tilespmem:v0+s17+$0x10 ss:$0x1], $0xffff;
	s16 =	sadd.s32 $0x1, s16;
	[tilespmem:s31+$0xFFFFFFC0] =	vst v57  }
0x3d: {  	v63 =	vld.idx.msk [tilespmem:v0+s17+$0x20 ss:$0x1], $0xffff;
	p1 =	sne.s32 s16, $0x10;
	[tilespmem:s31+$0xFFFFFFD0] =	vst v58  }
.Ltmp4:
0x3e: {  	[tilespmem:s31+$0xFFFFFFE0] =	vst v59;
	(pc) =	sbr.rel @p1 .LBB1_3-.Ltmp4, $4  }
0x3f: {  	[tilespmem:s31+$0xFFFFFFF0] =	vst v60  }
0x40: {  	[tilespmem:s31+$0x0] =	vst v61  }
0x41: {  	[tilespmem:s31+$0x10] =	vst v62  }
0x42: {  	s13 =	sadd.s32 $0x80, s13;
	s15 =	sadd.s32 $0x400, s15;
	[tilespmem:s31+$0x20] =	vst v63  }
.Ltmp5:
0x43: {  	(pc) =	sbr.rel .LBB1_7-.Ltmp5, $4  }
0x44: {  	s12 =	sshll.u32 s12, $0xD;
	s11 =	sshll.u32 s11, $0x4  }
0x45: {  	s11 =	sand.u32 $0x3F0, s11;
	s12 =	sadd.s32 s3, s12  }
0x46: {  	s11 =	sadd.s32 s11, s12  }
0x47: {  	[hbm4b:s11+s6] =	stream.strided.scatter [tilespmem:s14], [sflag:$0x2], $0x4000, s7, s6, $0x38;
	[tilespmem:$0x10000] =	vst v63  }
.LBB1_8:
0x48: {  	_ =	sfence.sel $0x180000  }
0x49: {  	s2 =	simm.s32 $0x1;
	[bflag:$0x0] =	sbarrier.arrive $0xFFFF  }
0x4a: {  	s31 =	simm.s32 $0x2;
	[sflag:s2] =	ssyncpa.u1 $0x1  }
0x4b: {  	[sflag:s31] =	ssyncpa.u1 $0x1  }
0x4c: {  	p0 =	sne.s32 s1, $0x0;
	_ =	strace $0x90000047  }
0x4d: {  	s0 =	sadd.s32 @!p0 $0x100000, s0;
	[bflag:$0x2] =	sbarrier.arrive $0xFFFF  }
0x4e: {  	[sflag:s0] =	ssyncadd.tile.s32 @!p0 $0x1;
	_ =	shalt  }
.Lfunc_end1:
_tile_overlayer_lowered:
.L_overlay_start_2:
0x4f: {  	(tag) =	ssettag $0x2  }
0x50: {  	s0 =	rddreg [dreg:$0x0];
	s2 =	stileid.u32  }
0x51: {  	s1 =	rddreg [dreg:$0x1];
	p0 =	sne.s32 s2, $0x0  }
0x52: {  	s3 =	rddreg [dreg:$0x2];
	[bflag:$0x3] =	sbarrier.arrive $0xFFFF;
	s2 =	simm.s32 @!p0 $0x1C01  }
0x53: {  	[timem:s3], [sflag:s2] =	dma.local @!p0 [hbm:s0], s1  }
0x54: {  	s0 =	simm.s32 @!p0 $0x1  }
0x55: {  	_ =	swait.ge @!p0 [sflag:s0], s1  }
0x56: {  	s1 =	ssub.s32 @!p0 $0x0, s1;
	[sflag:s0] =	ssyncset.done @!p0 $0x0  }
0x57: {  	[sflag:s0] =	ssyncadd.s32 @!p0 s1  }
0x58: {  	[bflag:$0x3] =	sbarrier.arrive $0xFFFF  }
0x59: {  	_ =	shalt  }

</sc_bundles>
